<compile_context>
chip_gen: v7x
topology: tpu7x:2x2x1
jax: 0.10.2.dev20260603
libtpu: 0.0.44.dev20260713+nightly
codegen_flags: <defaults>
</compile_context>

<pallas_src>
import functools

import jax
import jax.numpy as jnp
from jax import lax
from jax.experimental import pallas as pl
from jax.experimental.pallas import tpu as pltpu
from jax.experimental.pallas import tpu_sc as plsc

B = 16384
EMB = 32
HID = 32
PK = 4
W = PK * EMB

_info = plsc.get_sparse_core_info()
_NC, _NS = _info.num_cores, _info.num_subcores
_NW = _NC * _NS
_BPW = B // _NW
_NR = 2
_RPW = _BPW // _NR

_mesh = plsc.VectorSubcoreMesh(core_axis_name="c", subcore_axis_name="s")



_TCOL_BITS = 13
_TCOL = 1 << _TCOL_BITS
_TROW_BITS = _TCOL_BITS - 2
_TROW = _TCOL // PK


def _transpose_body(xt_ref, out_ref):
    x = xt_ref[...]
    y = jnp.transpose(x, (1, 0))
    out_ref[...] = jnp.concatenate(
        [y[j * _TROW:(j + 1) * _TROW, :] for j in range(PK)], axis=1)


def _pack_rows(tab_t, n):
    grid = (pl.cdiv(n, _TCOL),)
    return pl.pallas_call(
        _transpose_body,
        grid=grid,
        in_specs=[pl.BlockSpec((EMB, _TCOL), lambda i: (0, i))],
        out_specs=pl.BlockSpec((_TROW, W), lambda i: (i, 0)),
        out_shape=jax.ShapeDtypeStruct((pl.cdiv(n, _TCOL) * _TROW, W),
                                       jnp.float32),
    )(tab_t)


def _packed_row(idx):
    return (lax.shift_right_logical(idx, _TCOL_BITS) * _TROW) + \
        (idx & (_TROW - 1))


def _packed_sub(idx):
    return lax.shift_right_logical(idx, _TROW_BITS) & (PK - 1)



@functools.partial(
    pl.kernel,
    mesh=_mesh,
    compiler_params=pltpu.CompilerParams(use_tc_tiling_on_sc=False),
    out_type=jax.ShapeDtypeStruct((B, W), jnp.float32),
    scratch_types=[
        pltpu.VMEM((_BPW,), jnp.int32),
        pltpu.VMEM((_RPW, W), jnp.float32),
        pltpu.VMEM((_RPW, W), jnp.float32),
        pltpu.SemaphoreType.DMA,
        pltpu.SemaphoreType.DMA,
    ],
)
def _sc_gather(tid_hbm, tab_hbm, out_hbm, idx_v, rows_a, rows_b, sem_a, sem_b):
    wid = lax.axis_index("s") * _NC + lax.axis_index("c")
    base = wid * _BPW
    pltpu.sync_copy(tid_hbm.at[pl.ds(base, _BPW)], idx_v)
    ca = pltpu.async_copy(tab_hbm.at[idx_v.at[pl.ds(0, _RPW)]], rows_a, sem_a)
    cb = pltpu.async_copy(tab_hbm.at[idx_v.at[pl.ds(_RPW, _RPW)]], rows_b,
                          sem_b)
    ca.wait()
    pltpu.sync_copy(rows_a, out_hbm.at[pl.ds(base, _RPW)])
    cb.wait()
    pltpu.sync_copy(rows_b, out_hbm.at[pl.ds(base + _RPW, _RPW)])



_BLK = 2048


def _pick(rows, m):
    sel = jnp.where(m == 0, rows[:, 0:EMB], rows[:, EMB:2 * EMB])
    sel = jnp.where(m == 2, rows[:, 2 * EMB:3 * EMB], sel)
    return jnp.where(m == 3, rows[:, 3 * EMB:4 * EMB], sel)


def _mlp_body(ur_ref, ir_ref, uid_ref, iid_ref, uat_ref, iat_ref,
              w1_ref, b1_ref, w2_ref, b2_ref, out_ref):
    uf = _pick(ur_ref[...], _packed_sub(uid_ref[...]))
    itf = _pick(ir_ref[...], _packed_sub(iid_ref[...]))
    w1 = w1_ref[...]
    acc = jnp.dot(uf, w1[0:EMB, :], preferred_element_type=jnp.float32)
    acc += jnp.dot(itf, w1[EMB:2 * EMB, :], preferred_element_type=jnp.float32)
    acc += jnp.dot(jnp.transpose(uat_ref[...], (1, 0)), w1[2 * EMB:3 * EMB, :],
                   preferred_element_type=jnp.float32)
    acc += jnp.dot(jnp.transpose(iat_ref[...], (1, 0)), w1[3 * EMB:4 * EMB, :],
                   preferred_element_type=jnp.float32)
    h = jnp.maximum(acc + b1_ref[...], 0.0)
    o = jnp.dot(h, w2_ref[...], preferred_element_type=jnp.float32)
    out_ref[...] = o + b2_ref[0, 0]


def _mlp(ur, ir, uid, iid, uat, iat, w1, b1, w2, b2):
    grid = (B // _BLK,)
    return pl.pallas_call(
        _mlp_body,
        grid=grid,
        in_specs=[
            pl.BlockSpec((_BLK, W), lambda i: (i, 0)),
            pl.BlockSpec((_BLK, W), lambda i: (i, 0)),
            pl.BlockSpec((_BLK, 1), lambda i: (i, 0)),
            pl.BlockSpec((_BLK, 1), lambda i: (i, 0)),
            pl.BlockSpec((EMB, _BLK), lambda i: (0, i)),
            pl.BlockSpec((EMB, _BLK), lambda i: (0, i)),
            pl.BlockSpec((4 * EMB, HID), lambda i: (0, 0)),
            pl.BlockSpec((1, HID), lambda i: (0, 0)),
            pl.BlockSpec((HID, 1), lambda i: (0, 0)),
            pl.BlockSpec((1, 1), lambda i: (0, 0)),
        ],
        out_specs=pl.BlockSpec((_BLK, 1), lambda i: (i, 0)),
        out_shape=jax.ShapeDtypeStruct((B, 1), jnp.float32),
    )(ur, ir, uid, iid, uat, iat, w1, b1, w2, b2)


def kernel(u_id, i_id, u_attr, i_attr, user_table, item_table, W1, b1, W2, b2):
    uid = u_id.astype(jnp.int32)
    iid = i_id.astype(jnp.int32)
    it4 = _pack_rows(item_table.T, item_table.shape[0])
    ir = _sc_gather(_packed_row(iid), it4)
    ut4 = _pack_rows(user_table.T, user_table.shape[0])
    ur = _sc_gather(_packed_row(uid), ut4)
    uat = jnp.squeeze(u_attr, axis=1).T
    iat = jnp.squeeze(i_attr, axis=1).T
    out = _mlp(ur, ir, uid.reshape(B, 1), iid.reshape(B, 1), uat, iat,
               W1, b1.reshape(1, HID), W2, b2.reshape(1, 1))
    return jnp.squeeze(out, axis=1)

# --- scband reference (transcript-rebuilt; emitter-appended) ---
"""Pipeline reference for scband-deep-fm-72730976191176 (READ-ONLY COPY).

The authoritative reference and input builder live on the scoring server;
editing this copy changes nothing except your own understanding.
"""

import jax, jax.numpy as jnp
import numpy as np

N_USERS = 1000000
N_ITEMS = 100000
EMB = 32
UA = 32
IA = 32
B = 16384
IN_DIM = 2 * EMB + UA + IA  # 128
HID = 32


def setup_inputs(seed: int = 0) -> dict:
    key = jax.random.key(seed)
    ks = jax.random.split(key, 10)
    u_id = jax.random.randint(ks[0], (B,), 0, N_USERS, dtype=jnp.int64 if jax.config.jax_enable_x64 else jnp.int32)
    i_id = jax.random.randint(ks[1], (B,), 0, N_ITEMS, dtype=jnp.int64 if jax.config.jax_enable_x64 else jnp.int32)
    u_attr = jax.random.normal(ks[2], (B, 1, UA), dtype=jnp.float32)
    i_attr = jax.random.normal(ks[3], (B, 1, IA), dtype=jnp.float32)
    user_table = jax.random.normal(ks[4], (N_USERS, EMB), dtype=jnp.float32) * 0.02
    item_table = jax.random.normal(ks[5], (N_ITEMS, EMB), dtype=jnp.float32) * 0.02
    W1 = jax.random.normal(ks[6], (IN_DIM, HID), dtype=jnp.float32) * (1.0 / np.sqrt(IN_DIM))
    b1 = jnp.zeros((HID,), dtype=jnp.float32)
    W2 = jax.random.normal(ks[7], (HID, 1), dtype=jnp.float32) * (1.0 / np.sqrt(HID))
    b2 = jnp.zeros((1,), dtype=jnp.float32)
    return {"u_id": u_id, "i_id": i_id, "u_attr": u_attr, "i_attr": i_attr,
            "user_table": user_table, "item_table": item_table,
            "W1": W1, "b1": b1, "W2": W2, "b2": b2}


def reference(u_id, i_id, u_attr, i_attr, user_table, item_table, W1, b1, W2, b2):
    user_factors = jnp.take(user_table, u_id, axis=0)   # [B, EMB] gather
    item_factors = jnp.take(item_table, i_id, axis=0)   # [B, EMB] gather
    ua = jnp.squeeze(u_attr, axis=1)                     # [B, UA]
    ia = jnp.squeeze(i_attr, axis=1)                     # [B, IA]
    x = jnp.concatenate([user_factors, item_factors, ua, ia], axis=1)  # [B, IN_DIM]
    h = jax.nn.relu(x @ W1 + b1)                         # Linear + ReLU (dropout p=0 -> identity)
    out = h @ W2 + b2                                    # [B, 1]
    return jnp.squeeze(out)                              # [B]

if __name__ == "__main__":
    import jax
    _d = setup_inputs()
    print(jax.jit(kernel)(*tuple(_d.values())))

</pallas_src>

<mosaic_0001>
#map = affine_map<(d0, d1) -> (0)>
#map1 = affine_map<(d0, d1) -> (0, 0)>
module attributes {stable_mosaic.version = 14 : i64} {
  func.func @_sc_gather(%arg0: i32, %arg1: i32, %arg2: memref<16384xi32, #tpu.memory_space<hbm>>, %arg3: memref<26624x128xf32, #tpu.memory_space<hbm>>, %arg4: memref<16384x128xf32, #tpu.memory_space<hbm>>, %arg5: memref<512xi32, #tpu.memory_space<vmem>>, %arg6: memref<256x128xf32, #tpu.memory_space<vmem>>, %arg7: memref<256x128xf32, #tpu.memory_space<vmem>>, %arg8: memref<!tpu.dma_semaphore, #tpu.memory_space<semaphore_mem>>, %arg9: memref<!tpu.dma_semaphore, #tpu.memory_space<semaphore_mem>>) attributes {dimension_semantics = [#tpu.dimension_semantics<core_parallel>, #tpu.dimension_semantics<subcore_parallel>], iteration_bounds = array<i64: 2, 16>, scalar_prefetch = 0 : i64, scratch_operands = 5 : i64, tpu.core_type = #tpu.core_type<sc_vector_subcore>, window_params = [{transform_indices = #map}, {transform_indices = #map1}, {transform_indices = #map1}]} {
    %mul3A = arith.constant 2 : i32
    %mul3A_0 = arith.muli %arg1, %mul3A : i32
    %add3A = arith.addi %mul3A_0, %arg0 : i32
    %mul3A_1 = arith.constant 512 : i32
    %mul3A_2 = arith.muli %add3A, %mul3A_1 : i32
    "tpu.region"() ({
      %run_scoped3A = tpu.sem_alloc : memref<!tpu.dma_semaphore, #tpu.memory_space<semaphore_mem>>
      %dma_start3A_23 = tpu.memref_slice %arg2[%mul3A_2] : memref<16384xi32, #tpu.memory_space<hbm>> -> memref<512xi32, #tpu.memory_space<hbm>>
      %dma_start3A_24 = tpu.memref_slice %arg2[%mul3A_2] : memref<16384xi32, #tpu.memory_space<hbm>> -> memref<512xi32, #tpu.memory_space<hbm>>
      tpu.enqueue_dma source(%dma_start3A_24 : memref<512xi32, #tpu.memory_space<hbm>>) target(%arg5 : memref<512xi32, #tpu.memory_space<vmem>>) target_semaphore(%run_scoped3A : memref<!tpu.dma_semaphore, #tpu.memory_space<semaphore_mem>>)
      %dma_wait3A_25 = tpu.memref_slice %arg2[%mul3A_2] : memref<16384xi32, #tpu.memory_space<hbm>> -> memref<512xi32, #tpu.memory_space<hbm>>
      %dma_wait3A_26 = tpu.memref_slice %arg2[%mul3A_2] : memref<16384xi32, #tpu.memory_space<hbm>> -> memref<512xi32, #tpu.memory_space<hbm>>
      tpu.wait_dma2 semaphore(%run_scoped3A : memref<!tpu.dma_semaphore, #tpu.memory_space<semaphore_mem>>) src(%dma_wait3A_26 : memref<512xi32, #tpu.memory_space<hbm>>) dst(%arg5 : memref<512xi32, #tpu.memory_space<vmem>>)
      tpu.yield
    }) : () -> ()
    %dma_start3A = arith.constant 0 : i32
    %dma_start3A_3 = tpu.memref_slice %arg5[%dma_start3A] : memref<512xi32, #tpu.memory_space<vmem>> -> memref<256xi32, #tpu.memory_space<vmem>>
    %dma_start3A_4 = arith.constant 0 : i32
    %dma_start3A_5 = arith.constant 0 : i32
    %dma_start3A_6 = tpu.memref_slice %arg3[%dma_start3A_4, %dma_start3A_5] : memref<26624x128xf32, #tpu.memory_space<hbm>> -> memref<26624x128xf32, #tpu.memory_space<hbm>>
    tpu.enqueue_indirect_dma source(%dma_start3A_6 : memref<26624x128xf32, #tpu.memory_space<hbm>>) target(%arg6 : memref<256x128xf32, #tpu.memory_space<vmem>>) offsets(%dma_start3A_3 : memref<256xi32, #tpu.memory_space<vmem>>) semaphore(%arg8 : memref<!tpu.dma_semaphore, #tpu.memory_space<semaphore_mem>>)
    %dma_start3A_7 = arith.constant 256 : i32
    %dma_start3A_8 = tpu.memref_slice %arg5[%dma_start3A_7] : memref<512xi32, #tpu.memory_space<vmem>> -> memref<256xi32, #tpu.memory_space<vmem>>
    %dma_start3A_9 = arith.constant 0 : i32
    %dma_start3A_10 = arith.constant 0 : i32
    %dma_start3A_11 = tpu.memref_slice %arg3[%dma_start3A_9, %dma_start3A_10] : memref<26624x128xf32, #tpu.memory_space<hbm>> -> memref<26624x128xf32, #tpu.memory_space<hbm>>
    tpu.enqueue_indirect_dma source(%dma_start3A_11 : memref<26624x128xf32, #tpu.memory_space<hbm>>) target(%arg7 : memref<256x128xf32, #tpu.memory_space<vmem>>) offsets(%dma_start3A_8 : memref<256xi32, #tpu.memory_space<vmem>>) semaphore(%arg9 : memref<!tpu.dma_semaphore, #tpu.memory_space<semaphore_mem>>)
    %dma_wait3A = arith.constant 0 : i32
    %dma_wait3A_12 = tpu.memref_slice %arg5[%dma_wait3A] : memref<512xi32, #tpu.memory_space<vmem>> -> memref<256xi32, #tpu.memory_space<vmem>>
    %dma_wait3A_13 = arith.constant 0 : i32
    %dma_wait3A_14 = arith.constant 0 : i32
    %dma_wait3A_15 = tpu.memref_slice %arg3[%dma_wait3A_13, %dma_wait3A_14] : memref<26624x128xf32, #tpu.memory_space<hbm>> -> memref<26624x128xf32, #tpu.memory_space<hbm>>
    tpu.wait_indirect_dma semaphore(%arg8 : memref<!tpu.dma_semaphore, #tpu.memory_space<semaphore_mem>>) src(%dma_wait3A_15 : memref<26624x128xf32, #tpu.memory_space<hbm>>) dst(%arg6 : memref<256x128xf32, #tpu.memory_space<vmem>>)
    "tpu.region"() ({
      %run_scoped3A = tpu.sem_alloc : memref<!tpu.dma_semaphore, #tpu.memory_space<semaphore_mem>>
      %dma_start3A_23 = arith.constant 0 : i32
      %dma_start3A_24 = tpu.memref_slice %arg4[%mul3A_2, %dma_start3A_23] : memref<16384x128xf32, #tpu.memory_space<hbm>> -> memref<256x128xf32, #tpu.memory_space<hbm>>
      %dma_start3A_25 = arith.constant 0 : i32
      %dma_start3A_26 = tpu.memref_slice %arg4[%mul3A_2, %dma_start3A_25] : memref<16384x128xf32, #tpu.memory_space<hbm>> -> memref<256x128xf32, #tpu.memory_space<hbm>>
      tpu.enqueue_dma source(%arg6 : memref<256x128xf32, #tpu.memory_space<vmem>>) target(%dma_start3A_26 : memref<256x128xf32, #tpu.memory_space<hbm>>) target_semaphore(%run_scoped3A : memref<!tpu.dma_semaphore, #tpu.memory_space<semaphore_mem>>)
      %dma_wait3A_27 = arith.constant 0 : i32
      %dma_wait3A_28 = tpu.memref_slice %arg4[%mul3A_2, %dma_wait3A_27] : memref<16384x128xf32, #tpu.memory_space<hbm>> -> memref<256x128xf32, #tpu.memory_space<hbm>>
      %dma_wait3A_29 = arith.constant 0 : i32
      %dma_wait3A_30 = tpu.memref_slice %arg4[%mul3A_2, %dma_wait3A_29] : memref<16384x128xf32, #tpu.memory_space<hbm>> -> memref<256x128xf32, #tpu.memory_space<hbm>>
      tpu.wait_dma2 semaphore(%run_scoped3A : memref<!tpu.dma_semaphore, #tpu.memory_space<semaphore_mem>>) src(%arg6 : memref<256x128xf32, #tpu.memory_space<vmem>>) dst(%dma_wait3A_30 : memref<256x128xf32, #tpu.memory_space<hbm>>)
      tpu.yield
    }) : () -> ()
    %dma_wait3A_16 = arith.constant 256 : i32
    %dma_wait3A_17 = tpu.memref_slice %arg5[%dma_wait3A_16] : memref<512xi32, #tpu.memory_space<vmem>> -> memref<256xi32, #tpu.memory_space<vmem>>
    %dma_wait3A_18 = arith.constant 0 : i32
    %dma_wait3A_19 = arith.constant 0 : i32
    %dma_wait3A_20 = tpu.memref_slice %arg3[%dma_wait3A_18, %dma_wait3A_19] : memref<26624x128xf32, #tpu.memory_space<hbm>> -> memref<26624x128xf32, #tpu.memory_space<hbm>>
    tpu.wait_indirect_dma semaphore(%arg9 : memref<!tpu.dma_semaphore, #tpu.memory_space<semaphore_mem>>) src(%dma_wait3A_20 : memref<26624x128xf32, #tpu.memory_space<hbm>>) dst(%arg7 : memref<256x128xf32, #tpu.memory_space<vmem>>)
    %add3A_21 = arith.constant 256 : i32
    %add3A_22 = arith.addi %mul3A_2, %add3A_21 : i32
    "tpu.region"() ({
      %run_scoped3A = tpu.sem_alloc : memref<!tpu.dma_semaphore, #tpu.memory_space<semaphore_mem>>
      %dma_start3A_23 = arith.constant 0 : i32
      %dma_start3A_24 = tpu.memref_slice %arg4[%add3A_22, %dma_start3A_23] : memref<16384x128xf32, #tpu.memory_space<hbm>> -> memref<256x128xf32, #tpu.memory_space<hbm>>
      %dma_start3A_25 = arith.constant 0 : i32
      %dma_start3A_26 = tpu.memref_slice %arg4[%add3A_22, %dma_start3A_25] : memref<16384x128xf32, #tpu.memory_space<hbm>> -> memref<256x128xf32, #tpu.memory_space<hbm>>
      tpu.enqueue_dma source(%arg7 : memref<256x128xf32, #tpu.memory_space<vmem>>) target(%dma_start3A_26 : memref<256x128xf32, #tpu.memory_space<hbm>>) target_semaphore(%run_scoped3A : memref<!tpu.dma_semaphore, #tpu.memory_space<semaphore_mem>>)
      %dma_wait3A_27 = arith.constant 0 : i32
      %dma_wait3A_28 = tpu.memref_slice %arg4[%add3A_22, %dma_wait3A_27] : memref<16384x128xf32, #tpu.memory_space<hbm>> -> memref<256x128xf32, #tpu.memory_space<hbm>>
      %dma_wait3A_29 = arith.constant 0 : i32
      %dma_wait3A_30 = tpu.memref_slice %arg4[%add3A_22, %dma_wait3A_29] : memref<16384x128xf32, #tpu.memory_space<hbm>> -> memref<256x128xf32, #tpu.memory_space<hbm>>
      tpu.wait_dma2 semaphore(%run_scoped3A : memref<!tpu.dma_semaphore, #tpu.memory_space<semaphore_mem>>) src(%arg7 : memref<256x128xf32, #tpu.memory_space<vmem>>) dst(%dma_wait3A_30 : memref<256x128xf32, #tpu.memory_space<hbm>>)
      tpu.yield
    }) : () -> ()
    return
  }
}

#map = affine_map<(d0, d1) -> (0)>
#map1 = affine_map<(d0, d1) -> (0, 0)>
module attributes {stable_mosaic.version = 14 : i64} {
  func.func @_sc_gather(%arg0: i32, %arg1: i32, %arg2: memref<16384xi32, #tpu.memory_space<hbm>>, %arg3: memref<251904x128xf32, #tpu.memory_space<hbm>>, %arg4: memref<16384x128xf32, #tpu.memory_space<hbm>>, %arg5: memref<512xi32, #tpu.memory_space<vmem>>, %arg6: memref<256x128xf32, #tpu.memory_space<vmem>>, %arg7: memref<256x128xf32, #tpu.memory_space<vmem>>, %arg8: memref<!tpu.dma_semaphore, #tpu.memory_space<semaphore_mem>>, %arg9: memref<!tpu.dma_semaphore, #tpu.memory_space<semaphore_mem>>) attributes {dimension_semantics = [#tpu.dimension_semantics<core_parallel>, #tpu.dimension_semantics<subcore_parallel>], iteration_bounds = array<i64: 2, 16>, scalar_prefetch = 0 : i64, scratch_operands = 5 : i64, tpu.core_type = #tpu.core_type<sc_vector_subcore>, window_params = [{transform_indices = #map}, {transform_indices = #map1}, {transform_indices = #map1}]} {
    %mul3A = arith.constant 2 : i32
    %mul3A_0 = arith.muli %arg1, %mul3A : i32
    %add3A = arith.addi %mul3A_0, %arg0 : i32
    %mul3A_1 = arith.constant 512 : i32
    %mul3A_2 = arith.muli %add3A, %mul3A_1 : i32
    "tpu.region"() ({
      %run_scoped3A = tpu.sem_alloc : memref<!tpu.dma_semaphore, #tpu.memory_space<semaphore_mem>>
      %dma_start3A_23 = tpu.memref_slice %arg2[%mul3A_2] : memref<16384xi32, #tpu.memory_space<hbm>> -> memref<512xi32, #tpu.memory_space<hbm>>
      %dma_start3A_24 = tpu.memref_slice %arg2[%mul3A_2] : memref<16384xi32, #tpu.memory_space<hbm>> -> memref<512xi32, #tpu.memory_space<hbm>>
      tpu.enqueue_dma source(%dma_start3A_24 : memref<512xi32, #tpu.memory_space<hbm>>) target(%arg5 : memref<512xi32, #tpu.memory_space<vmem>>) target_semaphore(%run_scoped3A : memref<!tpu.dma_semaphore, #tpu.memory_space<semaphore_mem>>)
      %dma_wait3A_25 = tpu.memref_slice %arg2[%mul3A_2] : memref<16384xi32, #tpu.memory_space<hbm>> -> memref<512xi32, #tpu.memory_space<hbm>>
      %dma_wait3A_26 = tpu.memref_slice %arg2[%mul3A_2] : memref<16384xi32, #tpu.memory_space<hbm>> -> memref<512xi32, #tpu.memory_space<hbm>>
      tpu.wait_dma2 semaphore(%run_scoped3A : memref<!tpu.dma_semaphore, #tpu.memory_space<semaphore_mem>>) src(%dma_wait3A_26 : memref<512xi32, #tpu.memory_space<hbm>>) dst(%arg5 : memref<512xi32, #tpu.memory_space<vmem>>)
      tpu.yield
    }) : () -> ()
    %dma_start3A = arith.constant 0 : i32
    %dma_start3A_3 = tpu.memref_slice %arg5[%dma_start3A] : memref<512xi32, #tpu.memory_space<vmem>> -> memref<256xi32, #tpu.memory_space<vmem>>
    %dma_start3A_4 = arith.constant 0 : i32
    %dma_start3A_5 = arith.constant 0 : i32
    %dma_start3A_6 = tpu.memref_slice %arg3[%dma_start3A_4, %dma_start3A_5] : memref<251904x128xf32, #tpu.memory_space<hbm>> -> memref<251904x128xf32, #tpu.memory_space<hbm>>
    tpu.enqueue_indirect_dma source(%dma_start3A_6 : memref<251904x128xf32, #tpu.memory_space<hbm>>) target(%arg6 : memref<256x128xf32, #tpu.memory_space<vmem>>) offsets(%dma_start3A_3 : memref<256xi32, #tpu.memory_space<vmem>>) semaphore(%arg8 : memref<!tpu.dma_semaphore, #tpu.memory_space<semaphore_mem>>)
    %dma_start3A_7 = arith.constant 256 : i32
    %dma_start3A_8 = tpu.memref_slice %arg5[%dma_start3A_7] : memref<512xi32, #tpu.memory_space<vmem>> -> memref<256xi32, #tpu.memory_space<vmem>>
    %dma_start3A_9 = arith.constant 0 : i32
    %dma_start3A_10 = arith.constant 0 : i32
    %dma_start3A_11 = tpu.memref_slice %arg3[%dma_start3A_9, %dma_start3A_10] : memref<251904x128xf32, #tpu.memory_space<hbm>> -> memref<251904x128xf32, #tpu.memory_space<hbm>>
    tpu.enqueue_indirect_dma source(%dma_start3A_11 : memref<251904x128xf32, #tpu.memory_space<hbm>>) target(%arg7 : memref<256x128xf32, #tpu.memory_space<vmem>>) offsets(%dma_start3A_8 : memref<256xi32, #tpu.memory_space<vmem>>) semaphore(%arg9 : memref<!tpu.dma_semaphore, #tpu.memory_space<semaphore_mem>>)
    %dma_wait3A = arith.constant 0 : i32
    %dma_wait3A_12 = tpu.memref_slice %arg5[%dma_wait3A] : memref<512xi32, #tpu.memory_space<vmem>> -> memref<256xi32, #tpu.memory_space<vmem>>
    %dma_wait3A_13 = arith.constant 0 : i32
    %dma_wait3A_14 = arith.constant 0 : i32
    %dma_wait3A_15 = tpu.memref_slice %arg3[%dma_wait3A_13, %dma_wait3A_14] : memref<251904x128xf32, #tpu.memory_space<hbm>> -> memref<251904x128xf32, #tpu.memory_space<hbm>>
    tpu.wait_indirect_dma semaphore(%arg8 : memref<!tpu.dma_semaphore, #tpu.memory_space<semaphore_mem>>) src(%dma_wait3A_15 : memref<251904x128xf32, #tpu.memory_space<hbm>>) dst(%arg6 : memref<256x128xf32, #tpu.memory_space<vmem>>)
    "tpu.region"() ({
      %run_scoped3A = tpu.sem_alloc : memref<!tpu.dma_semaphore, #tpu.memory_space<semaphore_mem>>
      %dma_start3A_23 = arith.constant 0 : i32
      %dma_start3A_24 = tpu.memref_slice %arg4[%mul3A_2, %dma_start3A_23] : memref<16384x128xf32, #tpu.memory_space<hbm>> -> memref<256x128xf32, #tpu.memory_space<hbm>>
      %dma_start3A_25 = arith.constant 0 : i32
      %dma_start3A_26 = tpu.memref_slice %arg4[%mul3A_2, %dma_start3A_25] : memref<16384x128xf32, #tpu.memory_space<hbm>> -> memref<256x128xf32, #tpu.memory_space<hbm>>
      tpu.enqueue_dma source(%arg6 : memref<256x128xf32, #tpu.memory_space<vmem>>) target(%dma_start3A_26 : memref<256x128xf32, #tpu.memory_space<hbm>>) target_semaphore(%run_scoped3A : memref<!tpu.dma_semaphore, #tpu.memory_space<semaphore_mem>>)
      %dma_wait3A_27 = arith.constant 0 : i32
      %dma_wait3A_28 = tpu.memref_slice %arg4[%mul3A_2, %dma_wait3A_27] : memref<16384x128xf32, #tpu.memory_space<hbm>> -> memref<256x128xf32, #tpu.memory_space<hbm>>
      %dma_wait3A_29 = arith.constant 0 : i32
      %dma_wait3A_30 = tpu.memref_slice %arg4[%mul3A_2, %dma_wait3A_29] : memref<16384x128xf32, #tpu.memory_space<hbm>> -> memref<256x128xf32, #tpu.memory_space<hbm>>
      tpu.wait_dma2 semaphore(%run_scoped3A : memref<!tpu.dma_semaphore, #tpu.memory_space<semaphore_mem>>) src(%arg6 : memref<256x128xf32, #tpu.memory_space<vmem>>) dst(%dma_wait3A_30 : memref<256x128xf32, #tpu.memory_space<hbm>>)
      tpu.yield
    }) : () -> ()
    %dma_wait3A_16 = arith.constant 256 : i32
    %dma_wait3A_17 = tpu.memref_slice %arg5[%dma_wait3A_16] : memref<512xi32, #tpu.memory_space<vmem>> -> memref<256xi32, #tpu.memory_space<vmem>>
    %dma_wait3A_18 = arith.constant 0 : i32
    %dma_wait3A_19 = arith.constant 0 : i32
    %dma_wait3A_20 = tpu.memref_slice %arg3[%dma_wait3A_18, %dma_wait3A_19] : memref<251904x128xf32, #tpu.memory_space<hbm>> -> memref<251904x128xf32, #tpu.memory_space<hbm>>
    tpu.wait_indirect_dma semaphore(%arg9 : memref<!tpu.dma_semaphore, #tpu.memory_space<semaphore_mem>>) src(%dma_wait3A_20 : memref<251904x128xf32, #tpu.memory_space<hbm>>) dst(%arg7 : memref<256x128xf32, #tpu.memory_space<vmem>>)
    %add3A_21 = arith.constant 256 : i32
    %add3A_22 = arith.addi %mul3A_2, %add3A_21 : i32
    "tpu.region"() ({
      %run_scoped3A = tpu.sem_alloc : memref<!tpu.dma_semaphore, #tpu.memory_space<semaphore_mem>>
      %dma_start3A_23 = arith.constant 0 : i32
      %dma_start3A_24 = tpu.memref_slice %arg4[%add3A_22, %dma_start3A_23] : memref<16384x128xf32, #tpu.memory_space<hbm>> -> memref<256x128xf32, #tpu.memory_space<hbm>>
      %dma_start3A_25 = arith.constant 0 : i32
      %dma_start3A_26 = tpu.memref_slice %arg4[%add3A_22, %dma_start3A_25] : memref<16384x128xf32, #tpu.memory_space<hbm>> -> memref<256x128xf32, #tpu.memory_space<hbm>>
      tpu.enqueue_dma source(%arg7 : memref<256x128xf32, #tpu.memory_space<vmem>>) target(%dma_start3A_26 : memref<256x128xf32, #tpu.memory_space<hbm>>) target_semaphore(%run_scoped3A : memref<!tpu.dma_semaphore, #tpu.memory_space<semaphore_mem>>)
      %dma_wait3A_27 = arith.constant 0 : i32
      %dma_wait3A_28 = tpu.memref_slice %arg4[%add3A_22, %dma_wait3A_27] : memref<16384x128xf32, #tpu.memory_space<hbm>> -> memref<256x128xf32, #tpu.memory_space<hbm>>
      %dma_wait3A_29 = arith.constant 0 : i32
      %dma_wait3A_30 = tpu.memref_slice %arg4[%add3A_22, %dma_wait3A_29] : memref<16384x128xf32, #tpu.memory_space<hbm>> -> memref<256x128xf32, #tpu.memory_space<hbm>>
      tpu.wait_dma2 semaphore(%run_scoped3A : memref<!tpu.dma_semaphore, #tpu.memory_space<semaphore_mem>>) src(%arg7 : memref<256x128xf32, #tpu.memory_space<vmem>>) dst(%dma_wait3A_30 : memref<256x128xf32, #tpu.memory_space<hbm>>)
      tpu.yield
    }) : () -> ()
    return
  }
}

module attributes {stable_mosaic.version = 14 : i64} {
  func.func @_transpose_body(%arg0: i32, %arg1: memref<32x8192xf32, #tpu.memory_space<vmem>>, %arg2: memref<2048x128xf32, #tpu.memory_space<vmem>>) attributes {dimension_semantics = [#tpu.dimension_semantics<arbitrary>], iteration_bounds = array<i64: 13>, scalar_prefetch = 0 : i64, scratch_operands = 0 : i64, tpu.core_type = #tpu.core_type<tc>, window_params = [{transform_indices = @transform_0, window_bounds = array<i64: 32, 8192>}, {transform_indices = @transform_1, window_bounds = array<i64: 2048, 128>}]} {
    %get3A = arith.constant 0 : index
    %get3A_0 = arith.constant 0 : index
    %get3A_1 = vector.load %arg1[%get3A, %get3A_0] : memref<32x8192xf32, #tpu.memory_space<vmem>>, vector<32x8192xf32>
    %transpose3A = tpu.transpose %get3A_1, [1, 0] : vector<32x8192xf32> -> vector<8192x32xf32>
    %slice3A = vector.extract_strided_slice %transpose3A {offsets = [0, 0], sizes = [2048, 32], strides = [1, 1]} : vector<8192x32xf32> to vector<2048x32xf32>
    %slice3A_2 = vector.extract_strided_slice %transpose3A {offsets = [2048, 0], sizes = [2048, 32], strides = [1, 1]} : vector<8192x32xf32> to vector<2048x32xf32>
    %slice3A_3 = vector.extract_strided_slice %transpose3A {offsets = [4096, 0], sizes = [2048, 32], strides = [1, 1]} : vector<8192x32xf32> to vector<2048x32xf32>
    %slice3A_4 = vector.extract_strided_slice %transpose3A {offsets = [6144, 0], sizes = [2048, 32], strides = [1, 1]} : vector<8192x32xf32> to vector<2048x32xf32>
    %concatenate3A = tpu.concatenate %slice3A, %slice3A_2, %slice3A_3, %slice3A_4 in 1 : vector<2048x32xf32>, vector<2048x32xf32>, vector<2048x32xf32>, vector<2048x32xf32> -> vector<2048x128xf32>
    %swap3A = arith.constant 0 : index
    %swap3A_5 = arith.constant 0 : index
    %swap3A_6 = vector.load %arg2[%swap3A, %swap3A_5] : memref<2048x128xf32, #tpu.memory_space<vmem>>, vector<2048x128xf32>
    tpu.vector_store %arg2[%swap3A, %swap3A_5], %concatenate3A {strides = array<i32>} : memref<2048x128xf32, #tpu.memory_space<vmem>>, vector<2048x128xf32>,
    return
  }
  func.func @transform_0(%arg0: i32) -> (i32, i32) {
    %c0_i32 = arith.constant 0 : i32
    %c0_i32_0 = arith.constant 0 : i32
    return %c0_i32, %arg0 : i32, i32
  }
  func.func @transform_1(%arg0: i32) -> (i32, i32) {
    %c0_i32 = arith.constant 0 : i32
    %c0_i32_0 = arith.constant 0 : i32
    return %arg0, %c0_i32 : i32, i32
  }
}

module attributes {stable_mosaic.version = 14 : i64} {
  func.func @_transpose_body(%arg0: i32, %arg1: memref<32x8192xf32, #tpu.memory_space<vmem>>, %arg2: memref<2048x128xf32, #tpu.memory_space<vmem>>) attributes {dimension_semantics = [#tpu.dimension_semantics<arbitrary>], iteration_bounds = array<i64: 123>, scalar_prefetch = 0 : i64, scratch_operands = 0 : i64, tpu.core_type = #tpu.core_type<tc>, window_params = [{transform_indices = @transform_0, window_bounds = array<i64: 32, 8192>}, {transform_indices = @transform_1, window_bounds = array<i64: 2048, 128>}]} {
    %get3A = arith.constant 0 : index
    %get3A_0 = arith.constant 0 : index
    %get3A_1 = vector.load %arg1[%get3A, %get3A_0] : memref<32x8192xf32, #tpu.memory_space<vmem>>, vector<32x8192xf32>
    %transpose3A = tpu.transpose %get3A_1, [1, 0] : vector<32x8192xf32> -> vector<8192x32xf32>
    %slice3A = vector.extract_strided_slice %transpose3A {offsets = [0, 0], sizes = [2048, 32], strides = [1, 1]} : vector<8192x32xf32> to vector<2048x32xf32>
    %slice3A_2 = vector.extract_strided_slice %transpose3A {offsets = [2048, 0], sizes = [2048, 32], strides = [1, 1]} : vector<8192x32xf32> to vector<2048x32xf32>
    %slice3A_3 = vector.extract_strided_slice %transpose3A {offsets = [4096, 0], sizes = [2048, 32], strides = [1, 1]} : vector<8192x32xf32> to vector<2048x32xf32>
    %slice3A_4 = vector.extract_strided_slice %transpose3A {offsets = [6144, 0], sizes = [2048, 32], strides = [1, 1]} : vector<8192x32xf32> to vector<2048x32xf32>
    %concatenate3A = tpu.concatenate %slice3A, %slice3A_2, %slice3A_3, %slice3A_4 in 1 : vector<2048x32xf32>, vector<2048x32xf32>, vector<2048x32xf32>, vector<2048x32xf32> -> vector<2048x128xf32>
    %swap3A = arith.constant 0 : index
    %swap3A_5 = arith.constant 0 : index
    %swap3A_6 = vector.load %arg2[%swap3A, %swap3A_5] : memref<2048x128xf32, #tpu.memory_space<vmem>>, vector<2048x128xf32>
    tpu.vector_store %arg2[%swap3A, %swap3A_5], %concatenate3A {strides = array<i32>} : memref<2048x128xf32, #tpu.memory_space<vmem>>, vector<2048x128xf32>,
    return
  }
  func.func @transform_0(%arg0: i32) -> (i32, i32) {
    %c0_i32 = arith.constant 0 : i32
    %c0_i32_0 = arith.constant 0 : i32
    return %c0_i32, %arg0 : i32, i32
  }
  func.func @transform_1(%arg0: i32) -> (i32, i32) {
    %c0_i32 = arith.constant 0 : i32
    %c0_i32_0 = arith.constant 0 : i32
    return %arg0, %c0_i32 : i32, i32
  }
}

module attributes {stable_mosaic.version = 14 : i64} {
  func.func @_mlp_body(%arg0: i32, %arg1: memref<2048x128xf32, #tpu.memory_space<vmem>>, %arg2: memref<2048x128xf32, #tpu.memory_space<vmem>>, %arg3: memref<2048x1xi32, #tpu.memory_space<vmem>>, %arg4: memref<2048x1xi32, #tpu.memory_space<vmem>>, %arg5: memref<32x2048xf32, #tpu.memory_space<vmem>>, %arg6: memref<32x2048xf32, #tpu.memory_space<vmem>>, %arg7: memref<128x32xf32, #tpu.memory_space<vmem>>, %arg8: memref<1x32xf32, #tpu.memory_space<vmem>>, %arg9: memref<32x1xf32, #tpu.memory_space<vmem>>, %arg10: memref<1x1xf32, #tpu.memory_space<vmem>>, %arg11: memref<2048x1xf32, #tpu.memory_space<vmem>>) attributes {dimension_semantics = [#tpu.dimension_semantics<arbitrary>], iteration_bounds = array<i64: 8>, scalar_prefetch = 0 : i64, scratch_operands = 0 : i64, tpu.core_type = #tpu.core_type<tc>, window_params = [{transform_indices = @transform_0, window_bounds = array<i64: 2048, 128>}, {transform_indices = @transform_1, window_bounds = array<i64: 2048, 128>}, {transform_indices = @transform_2, window_bounds = array<i64: 2048, 1>}, {transform_indices = @transform_3, window_bounds = array<i64: 2048, 1>}, {transform_indices = @transform_4, window_bounds = array<i64: 32, 2048>}, {transform_indices = @transform_5, window_bounds = array<i64: 32, 2048>}, {pipeline_mode = #tpu.pipeline_mode<synchronous>, transform_indices = @transform_6, window_bounds = array<i64: 128, 32>}, {pipeline_mode = #tpu.pipeline_mode<synchronous>, transform_indices = @transform_7, window_bounds = array<i64: 1, 32>}, {pipeline_mode = #tpu.pipeline_mode<synchronous>, transform_indices = @transform_8, window_bounds = array<i64: 32, 1>}, {pipeline_mode = #tpu.pipeline_mode<synchronous>, transform_indices = @transform_9, window_bounds = array<i64: 1, 1>}, {transform_indices = @transform_10, window_bounds = array<i64: 2048, 1>}]} {
    %get3A = arith.constant 0 : index
    %get3A_0 = arith.constant 0 : index
    %get3A_1 = vector.load %arg1[%get3A, %get3A_0] : memref<2048x128xf32, #tpu.memory_space<vmem>>, vector<2048x128xf32>
    %get3A_2 = arith.constant 0 : index
    %get3A_3 = arith.constant 0 : index
    %get3A_4 = vector.load %arg3[%get3A_2, %get3A_3] : memref<2048x1xi32, #tpu.memory_space<vmem>>, vector<2048x1xi32>
    %shift_right_logical3A = arith.constant 11 : i32
    %shift_right_logical3A_5 = vector.broadcast %shift_right_logical3A : i32 to vector<2048x1xi32>
    %shift_right_logical3A_6 = arith.shrui %get3A_4, %shift_right_logical3A_5 : vector<2048x1xi32>
    %and3A = arith.constant 3 : i32
    %and3A_7 = vector.broadcast %and3A : i32 to vector<2048x1xi32>
    %and3A_8 = arith.andi %shift_right_logical3A_6, %and3A_7 : vector<2048x1xi32>
    %eq3A = arith.constant 0 : i32
    %eq3A_9 = vector.broadcast %eq3A : i32 to vector<2048x1xi32>
    %eq3A_10 = arith.cmpi eq, %and3A_8, %eq3A_9 : vector<2048x1xi32>
    %slice3A = vector.extract_strided_slice %get3A_1 {offsets = [0, 0], sizes = [2048, 32], strides = [1, 1]} : vector<2048x128xf32> to vector<2048x32xf32>
    %slice3A_11 = vector.extract_strided_slice %get3A_1 {offsets = [0, 32], sizes = [2048, 32], strides = [1, 1]} : vector<2048x128xf32> to vector<2048x32xf32>
    %broadcast_in_dim3A = vector.shape_cast %eq3A_10 : vector<2048x1xi1> to vector<2048x1xi1>
    %broadcast_in_dim3A_12 = vector.broadcast %broadcast_in_dim3A : vector<2048x1xi1> to vector<2048x32xi1>
    %select_n3A = arith.select %broadcast_in_dim3A_12, %slice3A, %slice3A_11 : vector<2048x32xi1>, vector<2048x32xf32>
    %eq3A_13 = arith.constant 2 : i32
    %eq3A_14 = vector.broadcast %eq3A_13 : i32 to vector<2048x1xi32>
    %eq3A_15 = arith.cmpi eq, %and3A_8, %eq3A_14 : vector<2048x1xi32>
    %slice3A_16 = vector.extract_strided_slice %get3A_1 {offsets = [0, 64], sizes = [2048, 32], strides = [1, 1]} : vector<2048x128xf32> to vector<2048x32xf32>
    %broadcast_in_dim3A_17 = vector.shape_cast %eq3A_15 : vector<2048x1xi1> to vector<2048x1xi1>
    %broadcast_in_dim3A_18 = vector.broadcast %broadcast_in_dim3A_17 : vector<2048x1xi1> to vector<2048x32xi1>
    %select_n3A_19 = arith.select %broadcast_in_dim3A_18, %slice3A_16, %select_n3A : vector<2048x32xi1>, vector<2048x32xf32>
    %eq3A_20 = arith.constant 3 : i32
    %eq3A_21 = vector.broadcast %eq3A_20 : i32 to vector<2048x1xi32>
    %eq3A_22 = arith.cmpi eq, %and3A_8, %eq3A_21 : vector<2048x1xi32>
    %slice3A_23 = vector.extract_strided_slice %get3A_1 {offsets = [0, 96], sizes = [2048, 32], strides = [1, 1]} : vector<2048x128xf32> to vector<2048x32xf32>
    %broadcast_in_dim3A_24 = vector.shape_cast %eq3A_22 : vector<2048x1xi1> to vector<2048x1xi1>
    %broadcast_in_dim3A_25 = vector.broadcast %broadcast_in_dim3A_24 : vector<2048x1xi1> to vector<2048x32xi1>
    %select_n3A_26 = arith.select %broadcast_in_dim3A_25, %slice3A_23, %select_n3A_19 : vector<2048x32xi1>, vector<2048x32xf32>
    %get3A_27 = arith.constant 0 : index
    %get3A_28 = arith.constant 0 : index
    %get3A_29 = vector.load %arg2[%get3A_27, %get3A_28] : memref<2048x128xf32, #tpu.memory_space<vmem>>, vector<2048x128xf32>
    %get3A_30 = arith.constant 0 : index
    %get3A_31 = arith.constant 0 : index
    %get3A_32 = vector.load %arg4[%get3A_30, %get3A_31] : memref<2048x1xi32, #tpu.memory_space<vmem>>, vector<2048x1xi32>
    %shift_right_logical3A_33 = arith.constant 11 : i32
    %shift_right_logical3A_34 = vector.broadcast %shift_right_logical3A_33 : i32 to vector<2048x1xi32>
    %shift_right_logical3A_35 = arith.shrui %get3A_32, %shift_right_logical3A_34 : vector<2048x1xi32>
    %and3A_36 = arith.constant 3 : i32
    %and3A_37 = vector.broadcast %and3A_36 : i32 to vector<2048x1xi32>
    %and3A_38 = arith.andi %shift_right_logical3A_35, %and3A_37 : vector<2048x1xi32>
    %eq3A_39 = arith.constant 0 : i32
    %eq3A_40 = vector.broadcast %eq3A_39 : i32 to vector<2048x1xi32>
    %eq3A_41 = arith.cmpi eq, %and3A_38, %eq3A_40 : vector<2048x1xi32>
    %slice3A_42 = vector.extract_strided_slice %get3A_29 {offsets = [0, 0], sizes = [2048, 32], strides = [1, 1]} : vector<2048x128xf32> to vector<2048x32xf32>
    %slice3A_43 = vector.extract_strided_slice %get3A_29 {offsets = [0, 32], sizes = [2048, 32], strides = [1, 1]} : vector<2048x128xf32> to vector<2048x32xf32>
    %broadcast_in_dim3A_44 = vector.shape_cast %eq3A_41 : vector<2048x1xi1> to vector<2048x1xi1>
    %broadcast_in_dim3A_45 = vector.broadcast %broadcast_in_dim3A_44 : vector<2048x1xi1> to vector<2048x32xi1>
    %select_n3A_46 = arith.select %broadcast_in_dim3A_45, %slice3A_42, %slice3A_43 : vector<2048x32xi1>, vector<2048x32xf32>
    %eq3A_47 = arith.constant 2 : i32
    %eq3A_48 = vector.broadcast %eq3A_47 : i32 to vector<2048x1xi32>
    %eq3A_49 = arith.cmpi eq, %and3A_38, %eq3A_48 : vector<2048x1xi32>
    %slice3A_50 = vector.extract_strided_slice %get3A_29 {offsets = [0, 64], sizes = [2048, 32], strides = [1, 1]} : vector<2048x128xf32> to vector<2048x32xf32>
    %broadcast_in_dim3A_51 = vector.shape_cast %eq3A_49 : vector<2048x1xi1> to vector<2048x1xi1>
    %broadcast_in_dim3A_52 = vector.broadcast %broadcast_in_dim3A_51 : vector<2048x1xi1> to vector<2048x32xi1>
    %select_n3A_53 = arith.select %broadcast_in_dim3A_52, %slice3A_50, %select_n3A_46 : vector<2048x32xi1>, vector<2048x32xf32>
    %eq3A_54 = arith.constant 3 : i32
    %eq3A_55 = vector.broadcast %eq3A_54 : i32 to vector<2048x1xi32>
    %eq3A_56 = arith.cmpi eq, %and3A_38, %eq3A_55 : vector<2048x1xi32>
    %slice3A_57 = vector.extract_strided_slice %get3A_29 {offsets = [0, 96], sizes = [2048, 32], strides = [1, 1]} : vector<2048x128xf32> to vector<2048x32xf32>
    %broadcast_in_dim3A_58 = vector.shape_cast %eq3A_56 : vector<2048x1xi1> to vector<2048x1xi1>
    %broadcast_in_dim3A_59 = vector.broadcast %broadcast_in_dim3A_58 : vector<2048x1xi1> to vector<2048x32xi1>
    %select_n3A_60 = arith.select %broadcast_in_dim3A_59, %slice3A_57, %select_n3A_53 : vector<2048x32xi1>, vector<2048x32xf32>
    %get3A_61 = arith.constant 0 : index
    %get3A_62 = arith.constant 0 : index
    %get3A_63 = vector.load %arg7[%get3A_61, %get3A_62] : memref<128x32xf32, #tpu.memory_space<vmem>>, vector<128x32xf32>
    %slice3A_64 = vector.extract_strided_slice %get3A_63 {offsets = [0, 0], sizes = [32, 32], strides = [1, 1]} : vector<128x32xf32> to vector<32x32xf32>
    %dot_general3A = arith.constant dense<0.000000e+00> : vector<2048x32xf32>
    %dot_general3A_65 = tpu.matmul %select_n3A_26, %slice3A_64, %dot_general3A {dimension_numbers = #tpu.dot_dimension_numbers<[1], [0], [0], [1], [0, 0, 1, 1], [], []>, transpose_lhs_hint = false} : vector<2048x32xf32>, vector<32x32xf32>, vector<2048x32xf32> -> vector<2048x32xf32>
    %slice3A_66 = vector.extract_strided_slice %get3A_63 {offsets = [32, 0], sizes = [32, 32], strides = [1, 1]} : vector<128x32xf32> to vector<32x32xf32>
    %dot_general3A_67 = arith.constant dense<0.000000e+00> : vector<2048x32xf32>
    %dot_general3A_68 = tpu.matmul %select_n3A_60, %slice3A_66, %dot_general3A_67 {dimension_numbers = #tpu.dot_dimension_numbers<[1], [0], [0], [1], [0, 0, 1, 1], [], []>, transpose_lhs_hint = false} : vector<2048x32xf32>, vector<32x32xf32>, vector<2048x32xf32> -> vector<2048x32xf32>
    %add3A = arith.addf %dot_general3A_65, %dot_general3A_68 : vector<2048x32xf32>
    %get3A_69 = arith.constant 0 : index
    %get3A_70 = arith.constant 0 : index
    %get3A_71 = vector.load %arg5[%get3A_69, %get3A_70] : memref<32x2048xf32, #tpu.memory_space<vmem>>, vector<32x2048xf32>
    %transpose3A = tpu.transpose %get3A_71, [1, 0] : vector<32x2048xf32> -> vector<2048x32xf32>
    %slice3A_72 = vector.extract_strided_slice %get3A_63 {offsets = [64, 0], sizes = [32, 32], strides = [1, 1]} : vector<128x32xf32> to vector<32x32xf32>
    %dot_general3A_73 = arith.constant dense<0.000000e+00> : vector<2048x32xf32>
    %dot_general3A_74 = tpu.matmul %transpose3A, %slice3A_72, %dot_general3A_73 {dimension_numbers = #tpu.dot_dimension_numbers<[1], [0], [0], [1], [0, 0, 1, 1], [], []>, transpose_lhs_hint = false} : vector<2048x32xf32>, vector<32x32xf32>, vector<2048x32xf32> -> vector<2048x32xf32>
    %add3A_75 = arith.addf %add3A, %dot_general3A_74 : vector<2048x32xf32>
    %get3A_76 = arith.constant 0 : index
    %get3A_77 = arith.constant 0 : index
    %get3A_78 = vector.load %arg6[%get3A_76, %get3A_77] : memref<32x2048xf32, #tpu.memory_space<vmem>>, vector<32x2048xf32>
    %transpose3A_79 = tpu.transpose %get3A_78, [1, 0] : vector<32x2048xf32> -> vector<2048x32xf32>
    %slice3A_80 = vector.extract_strided_slice %get3A_63 {offsets = [96, 0], sizes = [32, 32], strides = [1, 1]} : vector<128x32xf32> to vector<32x32xf32>
    %dot_general3A_81 = arith.constant dense<0.000000e+00> : vector<2048x32xf32>
    %dot_general3A_82 = tpu.matmul %transpose3A_79, %slice3A_80, %dot_general3A_81 {dimension_numbers = #tpu.dot_dimension_numbers<[1], [0], [0], [1], [0, 0, 1, 1], [], []>, transpose_lhs_hint = false} : vector<2048x32xf32>, vector<32x32xf32>, vector<2048x32xf32> -> vector<2048x32xf32>
    %add3A_83 = arith.addf %add3A_75, %dot_general3A_82 : vector<2048x32xf32>
    %get3A_84 = arith.constant 0 : index
    %get3A_85 = arith.constant 0 : index
    %get3A_86 = vector.load %arg8[%get3A_84, %get3A_85] : memref<1x32xf32, #tpu.memory_space<vmem>>, vector<1x32xf32>
    %add3A_87 = vector.broadcast %get3A_86 : vector<1x32xf32> to vector<2048x32xf32>
    %add3A_88 = arith.addf %add3A_83, %add3A_87 : vector<2048x32xf32>
    %max3A = arith.constant 0.000000e+00 : f32
    %max3A_89 = vector.broadcast %max3A : f32 to vector<2048x32xf32>
    %max3A_90 = arith.maximumf %add3A_88, %max3A_89 : vector<2048x32xf32>
    %get3A_91 = arith.constant 0 : index
    %get3A_92 = arith.constant 0 : index
    %get3A_93 = vector.load %arg9[%get3A_91, %get3A_92] : memref<32x1xf32, #tpu.memory_space<vmem>>, vector<32x1xf32>
    %dot_general3A_94 = arith.constant dense<0.000000e+00> : vector<2048x1xf32>
    %dot_general3A_95 = tpu.matmul %max3A_90, %get3A_93, %dot_general3A_94 {dimension_numbers = #tpu.dot_dimension_numbers<[1], [0], [0], [1], [0, 0, 1, 1], [], []>, transpose_lhs_hint = false} : vector<2048x32xf32>, vector<32x1xf32>, vector<2048x1xf32> -> vector<2048x1xf32>
    %get3A_96 = arith.constant 0 : index
    %get3A_97 = arith.constant 0 : index
    %get3A_98 = vector.load %arg10[%get3A_96, %get3A_97] : memref<1x1xf32, #tpu.memory_space<vmem>>, vector<1x1xf32>
    %get3A_99 = vector.extract %get3A_98[0, 0] : f32 from vector<1x1xf32>
    %add3A_100 = vector.broadcast %get3A_99 : f32 to vector<2048x1xf32>
    %add3A_101 = arith.addf %dot_general3A_95, %add3A_100 : vector<2048x1xf32>
    %swap3A = arith.constant 0 : index
    %swap3A_102 = arith.constant 0 : index
    %swap3A_103 = vector.load %arg11[%swap3A, %swap3A_102] : memref<2048x1xf32, #tpu.memory_space<vmem>>, vector<2048x1xf32>
    tpu.vector_store %arg11[%swap3A, %swap3A_102], %add3A_101 {strides = array<i32>} : memref<2048x1xf32, #tpu.memory_space<vmem>>, vector<2048x1xf32>,
    return
  }
  func.func @transform_0(%arg0: i32) -> (i32, i32) {
    %c0_i32 = arith.constant 0 : i32
    %c0_i32_0 = arith.constant 0 : i32
    return %arg0, %c0_i32 : i32, i32
  }
  func.func @transform_1(%arg0: i32) -> (i32, i32) {
    %c0_i32 = arith.constant 0 : i32
    %c0_i32_0 = arith.constant 0 : i32
    return %arg0, %c0_i32 : i32, i32
  }
  func.func @transform_2(%arg0: i32) -> (i32, i32) {
    %c0_i32 = arith.constant 0 : i32
    %c0_i32_0 = arith.constant 0 : i32
    return %arg0, %c0_i32 : i32, i32
  }
  func.func @transform_3(%arg0: i32) -> (i32, i32) {
    %c0_i32 = arith.constant 0 : i32
    %c0_i32_0 = arith.constant 0 : i32
    return %arg0, %c0_i32 : i32, i32
  }
  func.func @transform_4(%arg0: i32) -> (i32, i32) {
    %c0_i32 = arith.constant 0 : i32
    %c0_i32_0 = arith.constant 0 : i32
    return %c0_i32, %arg0 : i32, i32
  }
  func.func @transform_5(%arg0: i32) -> (i32, i32) {
    %c0_i32 = arith.constant 0 : i32
    %c0_i32_0 = arith.constant 0 : i32
    return %c0_i32, %arg0 : i32, i32
  }
  func.func @transform_6(%arg0: i32) -> (i32, i32) {
    %c0_i32 = arith.constant 0 : i32
    %c0_i32_0 = arith.constant 0 : i32
    %c0_i32_1 = arith.constant 0 : i32
    return %c0_i32, %c0_i32_0 : i32, i32
  }
  func.func @transform_7(%arg0: i32) -> (i32, i32) {
    %c0_i32 = arith.constant 0 : i32
    %c0_i32_0 = arith.constant 0 : i32
    %c0_i32_1 = arith.constant 0 : i32
    return %c0_i32, %c0_i32_0 : i32, i32
  }
  func.func @transform_8(%arg0: i32) -> (i32, i32) {
    %c0_i32 = arith.constant 0 : i32
    %c0_i32_0 = arith.constant 0 : i32
    %c0_i32_1 = arith.constant 0 : i32
    return %c0_i32, %c0_i32_0 : i32, i32
  }
  func.func @transform_9(%arg0: i32) -> (i32, i32) {
    %c0_i32 = arith.constant 0 : i32
    %c0_i32_0 = arith.constant 0 : i32
    %c0_i32_1 = arith.constant 0 : i32
    return %c0_i32, %c0_i32_0 : i32, i32
  }
  func.func @transform_10(%arg0: i32) -> (i32, i32) {
    %c0_i32 = arith.constant 0 : i32
    %c0_i32_0 = arith.constant 0 : i32
    return %arg0, %c0_i32 : i32, i32
  }
}

</mosaic_0001>

<sc_bundles>
// kernel: kernel.10.cloned.1.call-start
scs
__scs_entry_jumppad:
0x0: {  	(pc) =	sbr.rel $0x88, $3  }
0x1: {  	(tag) =	ssettag $0x0;
	lr =	simm.s32 $0x1  }
0x2: {  	[smem:$0x3F97] =	sst lr;
	_ =	strace $0xD0000000  }
0x3: {  	_ = 	snop  }
0x4: {  	_ = 	snop  }
0x5: {  	_ = 	snop  }
0x6: {  	_ = 	snop  }
0x7: {  	_ = 	snop  }
__scs_overlays_trampoline_lowered:
0x8: {  	[smem:$0x3FA6] =	sst s0  }
0x9: {  	[smem:$0x3FA7] =	sst s1  }
0xa: {  	[smem:$0x3FA8] =	sst s2  }
0xb: {  	[smem:$0x3FA9] =	sst s3  }
0xc: {  	[smem:$0x3FAA] =	sst s4  }
0xd: {  	[smem:$0x3FAB] =	sst s5  }
0xe: {  	[smem:$0x3FAC] =	sst s6  }
0xf: {  	[smem:$0x3FAD] =	sst s7  }
0x10: {  	[smem:$0x3FAE] =	sst s8  }
0x11: {  	[smem:$0x3FAF] =	sst s9;
	s0 =	simm.s32 @!p0 $0x0  }
0x12: {  	s1 =	sld [smem:$0x3F95];
	s0 =	simm.s32 @p0 $0x1  }
0x13: {  	[smem:$0x3FB0] =	sst s0;
	s0 =	simm.s32 @!p1 $0x0  }
0x14: {  	s2 =	sld [smem:$0x3F94];
	s0 =	simm.s32 @p1 $0x1  }
0x15: {  	[smem:$0x3FB1] =	sst s0;
	s0 =	simm.s32 @!p2 $0x0  }
0x16: {  	s3 =	sld [smem:$0x3FDB];
	s0 =	simm.s32 @p2 $0x1  }
0x17: {  	s4 =	simm.s32 $0x1BF5;
	[smem:$0x3FB3] =	sst s0  }
0x18: {  	s0 =	sld [smem:$0x3F96];
	_ =	swait.ge [sflag:s4], $0x0  }
0x19: {  	s7 =	sld [smem:$0x3F97]  }
0x1a: {  	s8 =	sadd.s32 $0xFFFFE003, lr  }
0x1b: {  	s9 =	sadd.s32 $0xFFFFFEF7, lr;
	s5 =	simm.s32 $0xFFFFFFFF;
	p2 =	slt.u32 s8, $0xFFFFF086  }
0x1c: {  	p1 =	slt.u32 s9, $0xF7A;
	s5 =	simm.s32 @!p2 $0x0  }
0x1d: {  	s5 =	simm.s32 @p1 $0x1;
	p0 =	seq.s32 s7, s2  }
0x1e: {  	s7 =	smul.u32 @!p0 $0xF7A, s2;
	p2 =	seq.s32 @!p0 s5, $0x0  }
0x1f: {  	s9 =	smul.u32 $0xF7A, s1;
	s8 =	simm.s32 @!p0 $0x1BF5;
	p2 =	por !p2, p0  }
0x20: {  	[sflag:s8] =	ssyncset.s32 @!p0 $0xFFFFF086;
	s6 =	sadd.s32 @!p0 s3, s7;
	s7 =	simm.s32 @!p0 $0x108  }
0x21: {  	s3 =	sadd.s32 s3, s9;
	s6 =	sadd.s32 @!p0 $0x88, s6;
	s7 =	simm.s32 @p2 $0x1082  }
0x22: {  	[simem:s7], [sflag:s8] =	dma.local @!p0 [hbm:s6], $0xF7A  }
0x23: {  	s9 =	sor.u32 $0xD0000000, s2;
	s6 =	simm.s32 $0x108;
	_ =	swait.ge @!p0 [sflag:s8], $0x0  }
0x24: {  	s3 =	sadd.s32 $0x88, s3;
	s6 =	simm.s32 @!p1 $0x1082;
	[sflag:s4] =	ssyncset.s32 $0xFFFFF086  }
0x25: {  	[simem:s6], [sflag:s4] =	dma.local [hbm:s3], $0xF7A  }
0x26: {  	[smem:$0x3F97] =	sst s1;
	(tag) =	ssettag s2;
	_ =	strace s9  }
0x27: {  	s1 =	sld [smem:$0x3FA7]  }
0x28: {  	s2 =	sld [smem:$0x3FA8]  }
0x29: {  	s4 =	sld [smem:$0x3FAA]  }
0x2a: {  	p0 =	seq.s32 s5, $0x0;
	s5 =	sld [smem:$0x3FAB]  }
0x2b: {  	s6 =	sld [smem:$0x3FAC]  }
0x2c: {  	s7 =	sld [smem:$0x3FAD]  }
0x2d: {  	s3 =	simm.s32 $0x108;
	s8 =	sld [smem:$0x3FAE]  }
0x2e: {  	s3 =	simm.s32 @!p0 $0x1082;
	s9 =	sld [smem:$0x3FAF]  }
0x2f: {  	lr =	sadd.s32 s0, s3;
	s0 =	sld [smem:$0x3FA6]  }
0x30: {  	s3 =	sld [smem:$0x3FA9]  }
0x31: {  	[smem:$0x3FB2] =	sst s10  }
0x32: {  	s10 =	sld [smem:$0x3FB0];
	_ =	sdelay $0x3  }
0x33: {  	p0 =	seq.s32 s10, $0x1;
	s10 =	sld [smem:$0x3FB2];
	_ =	sdelay $0x3  }
0x34: {  	[smem:$0x3FB2] =	sst s10  }
0x35: {  	s10 =	sld [smem:$0x3FB1];
	_ =	sdelay $0x3  }
0x36: {  	p1 =	seq.s32 s10, $0x1;
	s10 =	sld [smem:$0x3FB2];
	_ =	sdelay $0x3  }
0x37: {  	[smem:$0x3FB2] =	sst s10  }
0x38: {  	s10 =	sld [smem:$0x3FB3]  }
0x39: {  	_ = 	snop;
	(pc) =	sbr.ind lr, $3  }
0x3a: {  	_ = 	snop  }
0x3b: {  	_ = 	snop  }
0x3c: {  	p2 =	seq.s32 s10, $0x1;
	s10 =	sld [smem:$0x3FB2]  }
0x3d: {  	_ =	shalt  }
0x3e: {  	_ =	shalt  }
0x3f: {  	_ =	shalt  }
0x40: {  	_ =	shalt  }
0x41: {  	_ =	shalt  }
0x42: {  	_ =	shalt  }
0x43: {  	_ =	shalt  }
0x44: {  	_ =	shalt  }
0x45: {  	_ =	shalt  }
0x46: {  	_ =	shalt  }
0x47: {  	_ =	shalt  }
0x48: {  	_ =	shalt  }
0x49: {  	_ =	shalt  }
0x4a: {  	_ =	shalt  }
0x4b: {  	_ =	shalt  }
0x4c: {  	_ =	shalt  }
0x4d: {  	_ =	shalt  }
0x4e: {  	_ =	shalt  }
0x4f: {  	_ =	shalt  }
0x50: {  	_ =	shalt  }
0x51: {  	_ =	shalt  }
0x52: {  	_ =	shalt  }
0x53: {  	_ =	shalt  }
0x54: {  	_ =	shalt  }
0x55: {  	_ =	shalt  }
0x56: {  	_ =	shalt  }
0x57: {  	_ =	shalt  }
0x58: {  	_ =	shalt  }
0x59: {  	_ =	shalt  }
0x5a: {  	_ =	shalt  }
0x5b: {  	_ =	shalt  }
0x5c: {  	_ =	shalt  }
0x5d: {  	_ =	shalt  }
0x5e: {  	_ =	shalt  }
0x5f: {  	_ =	shalt  }
0x60: {  	_ =	shalt  }
0x61: {  	_ =	shalt  }
0x62: {  	_ =	shalt  }
0x63: {  	_ =	shalt  }
0x64: {  	_ =	shalt  }
0x65: {  	_ =	shalt  }
0x66: {  	_ =	shalt  }
0x67: {  	_ =	shalt  }
0x68: {  	_ =	shalt  }
0x69: {  	_ =	shalt  }
0x6a: {  	_ =	shalt  }
0x6b: {  	_ =	shalt  }
0x6c: {  	_ =	shalt  }
0x6d: {  	_ =	shalt  }
0x6e: {  	_ =	shalt  }
0x6f: {  	_ =	shalt  }
0x70: {  	_ =	shalt  }
0x71: {  	_ =	shalt  }
0x72: {  	_ =	shalt  }
0x73: {  	_ =	shalt  }
0x74: {  	_ =	shalt  }
0x75: {  	_ =	shalt  }
0x76: {  	_ =	shalt  }
0x77: {  	_ =	shalt  }
0x78: {  	_ =	shalt  }
0x79: {  	_ =	shalt  }
0x7a: {  	_ =	shalt  }
0x7b: {  	_ =	shalt  }
0x7c: {  	_ =	shalt  }
0x7d: {  	_ =	shalt  }
0x7e: {  	_ =	shalt  }
0x7f: {  	_ =	shalt  }
0x80: {  	_ =	shalt  }
0x81: {  	_ =	shalt  }
0x82: {  	_ =	shalt  }
0x83: {  	_ =	shalt  }
0x84: {  	_ =	shalt  }
0x85: {  	_ =	shalt  }
0x86: {  	_ =	shalt  }
0x87: {  	_ =	shalt  }
.Lfunc_end0:
.L_simem_size_0:
called_computation.1_lowered:
.L_overlay_start_0:
0x88: {  	s2 =	sld [smem:$0x3FD9]  }
0x89: {  	s3 =	sld [smem:$0x3FFE];
	_ =	sdelay $0x1  }
0x8a: {  	s1 =	srdreg.scid  }
0x8b: {  	s0 =	sand.u32 $0x1, s1  }
0x8c: {  	s17 =	sshll.u32 s0, $0xA;
	s2 =	sadd.s32 s3, s2  }
0x8d: {  	s2 =	sadd.s32 s2, s17  }
0x8e: {  	[smem:$0x3FBE] =	sst s2  }
0x8f: {  	_ = 	snop  }
0x90: {  	s2 =	sld [smem:$0x3FD0];
	(tm) =	ssettm $0x1  }
0x91: {  	s18 =	sld [smem:$0x3FFB];
	_ =	sdelay $0x3  }
0x92: {  	_ =	strace s18  }
0x93: {  	s3 =	sld [smem:$0x3FFC];
	_ =	sdelay $0x3  }
0x94: {  	_ =	strace s3  }
0x95: {  	s3 =	sld [smem:$0x3FFD];
	_ =	sdelay $0x3  }
0x96: {  	_ =	strace s3  }
0x97: {  	_ =	strace $0x8FFFFFFF  }
0x98: {  	s19 =	sld [smem:$0x3FDB];
	_ =	sdelay $0x1  }
0x99: {  	s4 =	simm.s32 $_scs_section_size  }
0x9a: {  	s5 =	simm.s32 $_size__tile_overlayer_lowered;
	s6 =	simm.s32 $_tile_overlayer_lowered  }
0x9b: {  	s22 =	simm.s32 $0x1BFF;
	s21 =	sshll.u32 s6, $0x1;
	s3 =	sadd.s32 s4, s19  }
0x9c: {  	s7 =	simm.s32 $0x0;
	s20 =	sshll.u32 s5, $0x1;
	s5 =	sadd.s32 s21, s3  }
0x9d: {  	[timem:s7], [sflag:s22] =	dma.local [hbm:s5], s20  }
0x9e: {  	_ =	swait.ge [sflag:s22], s20  }
0x9f: {  	s4 =	ssub.s32 $0x0, s20;
	[sflag:s22] =	ssyncset.done $0x0  }
0xa0: {  	[sflag:s22] =	ssyncadd.s32 s4;
	_ =	sdelay $0x1  }
0xa1: {  	s23 =	simm.s32 $0x1B8B  }
0xa2: {  	_ =	swait.ge [sflag:s23], $0x1  }
0xa3: {  	[sflag:s23] =	ssyncset.done $0x0  }
0xa4: {  	s25 =	simm.s32 $0x1B8E;
	s24 =	sld [smem:$0x3FFE];
	[sflag:s23] =	ssyncadd.s32 $0xFFFFFFFF  }
0xa5: {  	s26 =	simm.s32 $execute0_lowered;
	[smem:$0x3FD2] =	sst s25  }
0xa6: {  	s5 =	sshll.u32 s26, $0x1;
	_ =	strace $0x80000046;
	[dreg:$0x1] =	wrdreg $0xFFFFFFFF  }
0xa7: {  	s28 =	simm.s32 $_size_execute0_lowered;
	s3 =	sadd.s32 s3, s5;
	[dreg:$0x0] =	wrdreg $0x0  }
0xa8: {  	s5 =	sshll.u32 s28, $0x1;
	[dreg:$0x2] =	wrdreg s3  }
0xa9: {  	[dreg:$0x3] =	wrdreg s5  }
0xaa: {  	[dreg:$0x4] =	wrdreg $0xC0  }
0xab: {  	_ =	task [dreg:s7], $0x5FFFF  }
0xac: {  	[dreg:$0x1] =	wrdreg $0xFFFFFFFF  }
0xad: {  	[dreg:$0x0] =	wrdreg $0x60  }
0xae: {  	[dreg:$0x2] =	wrdreg s2  }
0xaf: {  	[dreg:$0x3] =	wrdreg s24  }
0xb0: {  	[dreg:$0x4] =	wrdreg $0xA  }
0xb1: {  	_ =	task.clear_ibuf [dreg:s7], $0x5FFFF;
	_ =	strace $0x90000046  }
0xb2: {  	s29 =	simm.s32 $0xA;
	_ =	strace $0x80000048  }
0xb3: {  	_ =	swait.ge [sflag:s29], $0x1  }
0xb4: {  	[sflag:s29] =	ssyncadd.s32 $0xFFFFFFFF  }
0xb5: {  	_ =	strace $0x90000048  }
0xb6: {  	_ =	sfence  }
0xb7: {  	s30 =	sld [smem:$0x0];
	_ =	sdelay $0x2  }
0xb8: {  	s31 =	sshll.u32 s1, $0xD;
	s1 =	sshrl.u32 s1, $0x2  }
0xb9: {  	s3 =	sand.u32 $0x4000, s31;
	s1 =	sadd.s32 s1, s30  }
0xba: {  	s0 =	sor.u32 s3, s0;
	s1 =	sshll.u32 s1, $0x11  }
0xbb: {  	s0 =	sor.u32 s1, s0  }
0xbc: {  	s0 =	sadd.s32 $0x8F2B, s0  }
0xbd: {  	[sflag:s0] =	ssyncadd.remote.s32 $0x1  }
0xbe: {  	_ =	sfence.sel $0xFFFF  }
0xbf: {  	[dreg:$0x0] =	wrdreg $0xFFFFFFFF;
	(pc) =	sbr.abs _section_cstart, $3  }
0xc0: {  	[dreg:$0x1] =	wrdreg $0xFFFFFFFF  }
0xc1: {  	_ =	task.clear_ibuf [dreg:s7], $0x2FFFF;
	_ =	strace $0x9FFFFFFF  }
0xc2: {  	(tm) =	ssettm $0x7FFFFFFF  }
0xc3: {  	_ =	shalt  }
tec
execute0_lowered:
.L_overlay_start_1:
0x0: {  	(tag) =	ssettag $0x1  }
0x1: {  	s1 =	srdreg.scid  }
0x2: {  	s3 =	rddreg [dreg:$0x0];
	s0 =	stileid.u32;
	s11 =	sand.u32 $0x1, s1  }
0x3: {  	s10 =	rddreg [dreg:$0x1];
	s4 =	sshll.u32 s0, $0xA;
	s5 =	sshll.u32 s11, $0x9  }
0x4: {  	s2 =	simm.s32 $0x0;
	s1 =	rddreg [dreg:$0x2];
	s12 =	sor.u32 s5, s4  }
0x5: {  	[smem:$0x7FF] =	sst s2;
	s4 =	sshrl.u32 s12, $0x3  }
0x6: {  	_ =	strace $0x80000047;
	s4 =	sadd.s32 s3, s4;
	s3 =	simm.s32 $0x3  }
0x7: {  	[tilespmem:s2], [sflag:$0x3] =	stream.linear.gather [hbm4b:s4+s2], $0x200, $0x38;
	[tilespmem:$0x10200] =	vst v63  }
0x8: {  	_ =	swait.ge [sflag:s3], $0x200  }
0x9: {  	s6 =	simm.s32 $0x100;
	[sflag:s3] =	ssyncset.done $0x0  }
0xa: {  	s7 =	simm.s32 $0x200;
	s5 =	sadd.s32 $0x2400, s10;
	[sflag:s3] =	ssyncadd.s32 $0xFFFFFE00  }
0xb: {  	[tilespmem:s7], [sflag:$0x1] =	stream.indirect.gather [hbm4b:s5+s6], $0x80, s2, s6, $0xb8;
	[tilespmem:$0x10200] =	vst v63  }
0xc: {  	s8 =	simm.s32 $0x8200;
	s9 =	simm.s32 $0x1  }
0xd: {  	[tilespmem:s8], [sflag:$0x2] =	stream.indirect.gather [hbm4b:s5+s6], $0x80, s6, s6, $0xb8;
	[tilespmem:$0x10200] =	vst v63  }
0xe: {  	s12 =	sshll.u32 s12, $0x4;
	_ =	swait.ge [sflag:s9], $0x8000  }
0xf: {  	s12 =	sadd.s32 s12, s10;
	[sflag:s9] =	ssyncset.done $0x0  }
0x10: {  	s13 =	ssub.s32 $0x2, s11;
	s10 =	sadd.s32 $0x3DA400, s12;
	[sflag:s9] =	ssyncadd.s32 $0xFFFF8000  }
0x11: {  	[hbm4b:s10+s2] =	stream.linear.scatter [tilespmem:s7], [sflag:$0x3], $0x8000, $0x38;
	[tilespmem:$0x10200] =	vst v63  }
0x12: {  	s14 =	sshrl.u32 s13, $0x1;
	_ =	swait.ge [sflag:s3], $0x8000  }
0x13: {  	s13 =	ssub.s32 s13, s14;
	[sflag:s3] =	ssyncset.done $0x0  }
0x14: {  	s11 =	simm.s32 $0x2;
	s13 =	smax.u32 s13, $0x1;
	[sflag:s3] =	ssyncadd.s32 $0xFFFF8000  }
0x15: {  	p0 =	sne.s32 s13, $0x1;
	_ =	swait.ge [sflag:s11], $0x8000  }
.Ltmp0:
0x16: {  	[sflag:s11] =	ssyncset.done $0x0;
	(pc) =	sbr.rel @!p0 .LBB2_2-.Ltmp0, $4  }
0x17: {  	s12 =	sadd.s32 $0x3DB400, s12;
	[sflag:s11] =	ssyncadd.s32 $0xFFFF8000  }
0x18: {  	[hbm4b:s12+s2] =	stream.linear.scatter [tilespmem:s8], [sflag:$0x3], $0x8000, $0x38;
	[tilespmem:$0x10200] =	vst v63  }
0x19: {  	_ =	swait.ge [sflag:s3], $0x8000  }
0x1a: {  	s13 =	sadd.s32 $0xFFFFFFFF, s13;
	[sflag:s3] =	ssyncset.done $0x0  }
.LBB2_1:
0x1b: {  	p0 =	sne.s32 s13, $0x1;
	s13 =	sadd.s32 $0xFFFFFFFF, s13;
	[sflag:s3] =	ssyncadd.s32 $0xFFFF8000  }
0x1c: {  	[tilespmem:s2], [sflag:$0x3] =	stream.linear.gather [hbm4b:s4+s2], $0x200, $0x38;
	[tilespmem:$0x10200] =	vst v63  }
0x1d: {  	_ =	swait.ge [sflag:s3], $0x200  }
0x1e: {  	[sflag:s3] =	ssyncset.done $0x0  }
0x1f: {  	[sflag:s3] =	ssyncadd.s32 $0xFFFFFE00  }
0x20: {  	[tilespmem:s7], [sflag:$0x1] =	stream.indirect.gather [hbm4b:s5+s6], $0x80, s2, s6, $0xb8;
	[tilespmem:$0x10200] =	vst v63  }
0x21: {  	_ = 	snop  }
0x22: {  	[tilespmem:s8], [sflag:$0x2] =	stream.indirect.gather [hbm4b:s5+s6], $0x80, s6, s6, $0xb8;
	[tilespmem:$0x10200] =	vst v63  }
0x23: {  	_ =	swait.ge [sflag:s9], $0x8000  }
0x24: {  	[sflag:s9] =	ssyncset.done $0x0  }
0x25: {  	[sflag:s9] =	ssyncadd.s32 $0xFFFF8000  }
0x26: {  	[hbm4b:s10+s2] =	stream.linear.scatter [tilespmem:s7], [sflag:$0x3], $0x8000, $0x38;
	[tilespmem:$0x10200] =	vst v63  }
0x27: {  	_ =	swait.ge [sflag:s3], $0x8000  }
0x28: {  	[sflag:s3] =	ssyncset.done $0x0  }
0x29: {  	[sflag:s3] =	ssyncadd.s32 $0xFFFF8000  }
0x2a: {  	_ =	swait.ge [sflag:s11], $0x8000  }
.Ltmp1:
0x2b: {  	[sflag:s11] =	ssyncset.done $0x0;
	(pc) =	sbr.rel @p0 .LBB2_1-.Ltmp1, $4  }
0x2c: {  	[sflag:s11] =	ssyncadd.s32 $0xFFFF8000  }
0x2d: {  	[hbm4b:s12+s2] =	stream.linear.scatter [tilespmem:s8], [sflag:$0x3], $0x8000, $0x38;
	[tilespmem:$0x10200] =	vst v63  }
0x2e: {  	_ =	swait.ge [sflag:s3], $0x8000  }
0x2f: {  	[sflag:s3] =	ssyncset.done $0x0  }
.LBB2_2:
0x30: {  	[sflag:s3] =	ssyncadd.s32 $0xFFFF8000  }
0x31: {  	_ =	sfence.sel $0x180000  }
0x32: {  	[bflag:$0x0] =	sbarrier.arrive $0xFFFF  }
0x33: {  	p0 =	sne.s32 s0, $0x0;
	_ =	strace $0x90000047  }
0x34: {  	s0 =	sadd.s32 @!p0 $0x100000, s1;
	[bflag:$0x2] =	sbarrier.arrive $0xFFFF  }
0x35: {  	[sflag:s0] =	ssyncadd.tile.s32 @!p0 $0x1;
	_ =	shalt  }
.Lfunc_end2:
_tile_overlayer_lowered:
.L_overlay_start_2:
0x36: {  	(tag) =	ssettag $0x2  }
0x37: {  	s0 =	rddreg [dreg:$0x0];
	s2 =	stileid.u32  }
0x38: {  	s1 =	rddreg [dreg:$0x1];
	p0 =	sne.s32 s2, $0x0  }
0x39: {  	s3 =	rddreg [dreg:$0x2];
	[bflag:$0x3] =	sbarrier.arrive $0xFFFF;
	s2 =	simm.s32 @!p0 $0x1C03  }
0x3a: {  	[timem:s3], [sflag:s2] =	dma.local @!p0 [hbm:s0], s1  }
0x3b: {  	s0 =	simm.s32 @!p0 $0x3  }
0x3c: {  	_ =	swait.ge @!p0 [sflag:s0], s1  }
0x3d: {  	s1 =	ssub.s32 @!p0 $0x0, s1;
	[sflag:s0] =	ssyncset.done @!p0 $0x0  }
0x3e: {  	[sflag:s0] =	ssyncadd.s32 @!p0 s1  }
0x3f: {  	[bflag:$0x3] =	sbarrier.arrive $0xFFFF  }
0x40: {  	_ =	shalt  }

// kernel: kernel.7.cloned.1.call-start
scs
__scs_entry_jumppad:
0x0: {  	(pc) =	sbr.rel $0x88, $3  }
0x1: {  	(tag) =	ssettag $0x0;
	lr =	simm.s32 $0x1  }
0x2: {  	[smem:$0x3F97] =	sst lr;
	_ =	strace $0xD0000000  }
0x3: {  	_ = 	snop  }
0x4: {  	_ = 	snop  }
0x5: {  	_ = 	snop  }
0x6: {  	_ = 	snop  }
0x7: {  	_ = 	snop  }
__scs_overlays_trampoline_lowered:
0x8: {  	[smem:$0x3FA6] =	sst s0  }
0x9: {  	[smem:$0x3FA7] =	sst s1  }
0xa: {  	[smem:$0x3FA8] =	sst s2  }
0xb: {  	[smem:$0x3FA9] =	sst s3  }
0xc: {  	[smem:$0x3FAA] =	sst s4  }
0xd: {  	[smem:$0x3FAB] =	sst s5  }
0xe: {  	[smem:$0x3FAC] =	sst s6  }
0xf: {  	[smem:$0x3FAD] =	sst s7  }
0x10: {  	[smem:$0x3FAE] =	sst s8  }
0x11: {  	[smem:$0x3FAF] =	sst s9;
	s0 =	simm.s32 @!p0 $0x0  }
0x12: {  	s1 =	sld [smem:$0x3F95];
	s0 =	simm.s32 @p0 $0x1  }
0x13: {  	[smem:$0x3FB0] =	sst s0;
	s0 =	simm.s32 @!p1 $0x0  }
0x14: {  	s2 =	sld [smem:$0x3F94];
	s0 =	simm.s32 @p1 $0x1  }
0x15: {  	[smem:$0x3FB1] =	sst s0;
	s0 =	simm.s32 @!p2 $0x0  }
0x16: {  	s3 =	sld [smem:$0x3FDB];
	s0 =	simm.s32 @p2 $0x1  }
0x17: {  	s4 =	simm.s32 $0x1BF5;
	[smem:$0x3FB3] =	sst s0  }
0x18: {  	s0 =	sld [smem:$0x3F96];
	_ =	swait.ge [sflag:s4], $0x0  }
0x19: {  	s7 =	sld [smem:$0x3F97]  }
0x1a: {  	s8 =	sadd.s32 $0xFFFFE003, lr  }
0x1b: {  	s9 =	sadd.s32 $0xFFFFFEF7, lr;
	s5 =	simm.s32 $0xFFFFFFFF;
	p2 =	slt.u32 s8, $0xFFFFF086  }
0x1c: {  	p1 =	slt.u32 s9, $0xF7A;
	s5 =	simm.s32 @!p2 $0x0  }
0x1d: {  	s5 =	simm.s32 @p1 $0x1;
	p0 =	seq.s32 s7, s2  }
0x1e: {  	s7 =	smul.u32 @!p0 $0xF7A, s2;
	p2 =	seq.s32 @!p0 s5, $0x0  }
0x1f: {  	s9 =	smul.u32 $0xF7A, s1;
	s8 =	simm.s32 @!p0 $0x1BF5;
	p2 =	por !p2, p0  }
0x20: {  	[sflag:s8] =	ssyncset.s32 @!p0 $0xFFFFF086;
	s6 =	sadd.s32 @!p0 s3, s7;
	s7 =	simm.s32 @!p0 $0x108  }
0x21: {  	s3 =	sadd.s32 s3, s9;
	s6 =	sadd.s32 @!p0 $0x88, s6;
	s7 =	simm.s32 @p2 $0x1082  }
0x22: {  	[simem:s7], [sflag:s8] =	dma.local @!p0 [hbm:s6], $0xF7A  }
0x23: {  	s9 =	sor.u32 $0xD0000000, s2;
	s6 =	simm.s32 $0x108;
	_ =	swait.ge @!p0 [sflag:s8], $0x0  }
0x24: {  	s3 =	sadd.s32 $0x88, s3;
	s6 =	simm.s32 @!p1 $0x1082;
	[sflag:s4] =	ssyncset.s32 $0xFFFFF086  }
0x25: {  	[simem:s6], [sflag:s4] =	dma.local [hbm:s3], $0xF7A  }
0x26: {  	[smem:$0x3F97] =	sst s1;
	(tag) =	ssettag s2;
	_ =	strace s9  }
0x27: {  	s1 =	sld [smem:$0x3FA7]  }
0x28: {  	s2 =	sld [smem:$0x3FA8]  }
0x29: {  	s4 =	sld [smem:$0x3FAA]  }
0x2a: {  	p0 =	seq.s32 s5, $0x0;
	s5 =	sld [smem:$0x3FAB]  }
0x2b: {  	s6 =	sld [smem:$0x3FAC]  }
0x2c: {  	s7 =	sld [smem:$0x3FAD]  }
0x2d: {  	s3 =	simm.s32 $0x108;
	s8 =	sld [smem:$0x3FAE]  }
0x2e: {  	s3 =	simm.s32 @!p0 $0x1082;
	s9 =	sld [smem:$0x3FAF]  }
0x2f: {  	lr =	sadd.s32 s0, s3;
	s0 =	sld [smem:$0x3FA6]  }
0x30: {  	s3 =	sld [smem:$0x3FA9]  }
0x31: {  	[smem:$0x3FB2] =	sst s10  }
0x32: {  	s10 =	sld [smem:$0x3FB0];
	_ =	sdelay $0x3  }
0x33: {  	p0 =	seq.s32 s10, $0x1;
	s10 =	sld [smem:$0x3FB2];
	_ =	sdelay $0x3  }
0x34: {  	[smem:$0x3FB2] =	sst s10  }
0x35: {  	s10 =	sld [smem:$0x3FB1];
	_ =	sdelay $0x3  }
0x36: {  	p1 =	seq.s32 s10, $0x1;
	s10 =	sld [smem:$0x3FB2];
	_ =	sdelay $0x3  }
0x37: {  	[smem:$0x3FB2] =	sst s10  }
0x38: {  	s10 =	sld [smem:$0x3FB3]  }
0x39: {  	_ = 	snop;
	(pc) =	sbr.ind lr, $3  }
0x3a: {  	_ = 	snop  }
0x3b: {  	_ = 	snop  }
0x3c: {  	p2 =	seq.s32 s10, $0x1;
	s10 =	sld [smem:$0x3FB2]  }
0x3d: {  	_ =	shalt  }
0x3e: {  	_ =	shalt  }
0x3f: {  	_ =	shalt  }
0x40: {  	_ =	shalt  }
0x41: {  	_ =	shalt  }
0x42: {  	_ =	shalt  }
0x43: {  	_ =	shalt  }
0x44: {  	_ =	shalt  }
0x45: {  	_ =	shalt  }
0x46: {  	_ =	shalt  }
0x47: {  	_ =	shalt  }
0x48: {  	_ =	shalt  }
0x49: {  	_ =	shalt  }
0x4a: {  	_ =	shalt  }
0x4b: {  	_ =	shalt  }
0x4c: {  	_ =	shalt  }
0x4d: {  	_ =	shalt  }
0x4e: {  	_ =	shalt  }
0x4f: {  	_ =	shalt  }
0x50: {  	_ =	shalt  }
0x51: {  	_ =	shalt  }
0x52: {  	_ =	shalt  }
0x53: {  	_ =	shalt  }
0x54: {  	_ =	shalt  }
0x55: {  	_ =	shalt  }
0x56: {  	_ =	shalt  }
0x57: {  	_ =	shalt  }
0x58: {  	_ =	shalt  }
0x59: {  	_ =	shalt  }
0x5a: {  	_ =	shalt  }
0x5b: {  	_ =	shalt  }
0x5c: {  	_ =	shalt  }
0x5d: {  	_ =	shalt  }
0x5e: {  	_ =	shalt  }
0x5f: {  	_ =	shalt  }
0x60: {  	_ =	shalt  }
0x61: {  	_ =	shalt  }
0x62: {  	_ =	shalt  }
0x63: {  	_ =	shalt  }
0x64: {  	_ =	shalt  }
0x65: {  	_ =	shalt  }
0x66: {  	_ =	shalt  }
0x67: {  	_ =	shalt  }
0x68: {  	_ =	shalt  }
0x69: {  	_ =	shalt  }
0x6a: {  	_ =	shalt  }
0x6b: {  	_ =	shalt  }
0x6c: {  	_ =	shalt  }
0x6d: {  	_ =	shalt  }
0x6e: {  	_ =	shalt  }
0x6f: {  	_ =	shalt  }
0x70: {  	_ =	shalt  }
0x71: {  	_ =	shalt  }
0x72: {  	_ =	shalt  }
0x73: {  	_ =	shalt  }
0x74: {  	_ =	shalt  }
0x75: {  	_ =	shalt  }
0x76: {  	_ =	shalt  }
0x77: {  	_ =	shalt  }
0x78: {  	_ =	shalt  }
0x79: {  	_ =	shalt  }
0x7a: {  	_ =	shalt  }
0x7b: {  	_ =	shalt  }
0x7c: {  	_ =	shalt  }
0x7d: {  	_ =	shalt  }
0x7e: {  	_ =	shalt  }
0x7f: {  	_ =	shalt  }
0x80: {  	_ =	shalt  }
0x81: {  	_ =	shalt  }
0x82: {  	_ =	shalt  }
0x83: {  	_ =	shalt  }
0x84: {  	_ =	shalt  }
0x85: {  	_ =	shalt  }
0x86: {  	_ =	shalt  }
0x87: {  	_ =	shalt  }
.Lfunc_end0:
.L_simem_size_0:
called_computation_lowered:
.L_overlay_start_0:
0x88: {  	s2 =	sld [smem:$0x3FD9]  }
0x89: {  	s3 =	sld [smem:$0x3FFE];
	_ =	sdelay $0x1  }
0x8a: {  	s1 =	srdreg.scid  }
0x8b: {  	s0 =	sand.u32 $0x1, s1  }
0x8c: {  	s17 =	sshll.u32 s0, $0xA;
	s2 =	sadd.s32 s3, s2  }
0x8d: {  	s2 =	sadd.s32 s2, s17  }
0x8e: {  	[smem:$0x3FBE] =	sst s2  }
0x8f: {  	_ = 	snop  }
0x90: {  	(tm) =	ssettm $0x1  }
0x91: {  	s18 =	sld [smem:$0x3FFB];
	_ =	sdelay $0x3  }
0x92: {  	_ =	strace s18  }
0x93: {  	s2 =	sld [smem:$0x3FFC];
	_ =	sdelay $0x3  }
0x94: {  	_ =	strace s2  }
0x95: {  	s2 =	sld [smem:$0x3FFD];
	_ =	sdelay $0x3  }
0x96: {  	_ =	strace s2  }
0x97: {  	_ =	strace $0x8FFFFFFF  }
0x98: {  	s19 =	sld [smem:$0x3FDB];
	_ =	sdelay $0x1  }
0x99: {  	s20 =	simm.s32 $_scs_section_size  }
0x9a: {  	s4 =	simm.s32 $_size__tile_overlayer_lowered;
	s5 =	simm.s32 $_tile_overlayer_lowered  }
0x9b: {  	s6 =	simm.s32 $0x1BFF;
	s21 =	sshll.u32 s5, $0x1;
	s3 =	sadd.s32 s20, s19  }
0x9c: {  	s22 =	simm.s32 $0x0;
	s4 =	sshll.u32 s4, $0x1;
	s5 =	sadd.s32 s21, s3  }
0x9d: {  	[timem:s22], [sflag:s6] =	dma.local [hbm:s5], s4  }
0x9e: {  	_ =	swait.ge [sflag:s6], s4  }
0x9f: {  	s4 =	ssub.s32 $0x0, s4;
	[sflag:s6] =	ssyncset.done $0x0  }
0xa0: {  	[sflag:s6] =	ssyncadd.s32 s4;
	_ =	sdelay $0x1  }
0xa1: {  	s23 =	simm.s32 $0x1B8B  }
0xa2: {  	_ =	swait.ge [sflag:s23], $0x1  }
0xa3: {  	[sflag:s23] =	ssyncset.done $0x0  }
0xa4: {  	[sflag:s23] =	ssyncadd.s32 $0xFFFFFFFF  }
0xa5: {  	s4 =	sld [smem:$0x0]  }
0xa6: {  	s5 =	sand.u32 $0xFFFFFFFE, s1  }
0xa7: {  	p0 =	sne.s32 s1, s5  }
0xa8: {  	s5 =	sshll.u32 @p0 s5, $0xE  }
0xa9: {  	s5 =	sadd.s32 @p0 $0x11B8D, s5;
	s6 =	sshll.u32 @p0 s4, $0x11  }
0xaa: {  	s5 =	sor.u32 @p0 s6, s5  }
0xab: {  	[sflag:s5] =	ssyncadd.remote.s32 @p0 $0x1;
	_ =	sdelay $0x1  }
0xac: {  	s5 =	simm.s32 @p0 $0x1B8D  }
0xad: {  	_ =	swait.eq @p0 [sflag:s5], $0x1  }
0xae: {  	[sflag:s5] =	ssyncadd.s32 @p0 $0xFFFFFFFF  }
0xaf: {  	s6 =	sshll.u32 @!p0 s1, $0xE  }
0xb0: {  	s6 =	sor.u32 @!p0 $0x4000, s6;
	s5 =	simm.s32 @!p0 $0x1B8D  }
0xb1: {  	s4 =	sshll.u32 @!p0 s4, $0x11;
	s6 =	sadd.s32 @!p0 $0x11B8D, s6;
	_ =	swait.eq @!p0 [sflag:s5], $0x1  }
0xb2: {  	s4 =	sor.u32 @!p0 s4, s6;
	[sflag:s5] =	ssyncadd.s32 @!p0 $0xFFFFFFFF  }
0xb3: {  	s25 =	simm.s32 $0x1B8E;
	s24 =	sld [smem:$0x3FFE];
	[sflag:s4] =	ssyncadd.remote.s32 @!p0 $0x1  }
0xb4: {  	s26 =	simm.s32 $execute0_lowered;
	[smem:$0x3FD2] =	sst s25  }
0xb5: {  	s5 =	sshll.u32 s26, $0x1;
	_ =	strace $0x80000049;
	[dreg:$0x1] =	wrdreg $0xFFFFFFFF  }
0xb6: {  	s28 =	simm.s32 $_size_execute0_lowered;
	s3 =	sadd.s32 s3, s5;
	[dreg:$0x0] =	wrdreg $0x0  }
0xb7: {  	s5 =	sshll.u32 s28, $0x1;
	[dreg:$0x2] =	wrdreg s3  }
0xb8: {  	[dreg:$0x3] =	wrdreg s5  }
0xb9: {  	[dreg:$0x4] =	wrdreg $0xC0  }
0xba: {  	_ =	task [dreg:s22], $0x5FFFF  }
0xbb: {  	[dreg:$0x1] =	wrdreg $0xFFFFFFFF  }
0xbc: {  	[dreg:$0x0] =	wrdreg $0x60  }
0xbd: {  	[dreg:$0x2] =	wrdreg s24  }
0xbe: {  	[dreg:$0x3] =	wrdreg $0x9  }
0xbf: {  	_ =	task.clear_ibuf [dreg:s22], $0x4FFFF;
	_ =	strace $0x90000049  }
0xc0: {  	s29 =	simm.s32 $0x9;
	_ =	strace $0x8000004B  }
0xc1: {  	_ =	swait.ge [sflag:s29], $0x1  }
0xc2: {  	[sflag:s29] =	ssyncadd.s32 $0xFFFFFFFF  }
0xc3: {  	_ =	strace $0x9000004B  }
0xc4: {  	_ =	sfence  }
0xc5: {  	s30 =	sld [smem:$0x0];
	_ =	sdelay $0x2  }
0xc6: {  	s31 =	sshll.u32 s1, $0xD;
	s1 =	sshrl.u32 s1, $0x2  }
0xc7: {  	s4 =	sand.u32 $0x4000, s31;
	s1 =	sadd.s32 s1, s30  }
0xc8: {  	s0 =	sor.u32 s4, s0;
	s1 =	sshll.u32 s1, $0x11  }
0xc9: {  	s0 =	sor.u32 s1, s0  }
0xca: {  	s0 =	sadd.s32 $0x8F2B, s0  }
0xcb: {  	[sflag:s0] =	ssyncadd.remote.s32 $0x1  }
0xcc: {  	_ =	sfence.sel $0xFFFF  }
0xcd: {  	[dreg:$0x0] =	wrdreg $0xFFFFFFFF;
	(pc) =	sbr.abs _section_cstart, $3  }
0xce: {  	[dreg:$0x1] =	wrdreg $0xFFFFFFFF  }
0xcf: {  	_ =	task.clear_ibuf [dreg:s22], $0x2FFFF;
	_ =	strace $0x9FFFFFFF  }
0xd0: {  	(tm) =	ssettm $0x7FFFFFFF  }
0xd1: {  	_ =	shalt  }
tec
execute0_lowered:
.L_overlay_start_1:
0x0: {  	(tag) =	ssettag $0x1  }
0x1: {  	s1 =	srdreg.scid  }
0x2: {  	s0 =	stileid.u32;
	s11 =	sand.u32 $0x1, s1  }
0x3: {  	s31 =	sshll.u32 s0, $0xA;
	s2 =	sshll.u32 s11, $0x9  }
0x4: {  	s10 =	rddreg [dreg:$0x0];
	s12 =	sor.u32 s2, s31  }
0x5: {  	s1 =	rddreg [dreg:$0x1];
	s2 =	simm.s32 $0x0;
	s3 =	sshrl.u32 s12, $0x3  }
0x6: {  	[smem:$0x7FF] =	sst s2;
	s3 =	sadd.s32 s3, s10  }
0x7: {  	_ =	strace $0x8000004A;
	s4 =	sadd.s32 $0x482400, s3;
	s3 =	simm.s32 $0x3  }
0x8: {  	[tilespmem:s2], [sflag:$0x3] =	stream.linear.gather [hbm4b:s4+s2], $0x200, $0x38;
	[tilespmem:$0x10200] =	vst v63  }
0x9: {  	_ =	swait.ge [sflag:s3], $0x200  }
0xa: {  	s6 =	simm.s32 $0x100;
	[sflag:s3] =	ssyncset.done $0x0  }
0xb: {  	s7 =	simm.s32 $0x200;
	s5 =	sadd.s32 $0x41A400, s10;
	[sflag:s3] =	ssyncadd.s32 $0xFFFFFE00  }
0xc: {  	[tilespmem:s7], [sflag:$0x1] =	stream.indirect.gather [hbm4b:s5+s6], $0x80, s2, s6, $0xb8;
	[tilespmem:$0x10200] =	vst v63  }
0xd: {  	s8 =	simm.s32 $0x8200;
	s9 =	simm.s32 $0x1  }
0xe: {  	[tilespmem:s8], [sflag:$0x2] =	stream.indirect.gather [hbm4b:s5+s6], $0x80, s6, s6, $0xb8;
	[tilespmem:$0x10200] =	vst v63  }
0xf: {  	s12 =	sshll.u32 s12, $0x4;
	_ =	swait.ge [sflag:s9], $0x8000  }
0x10: {  	s12 =	sadd.s32 s12, s10;
	[sflag:s9] =	ssyncset.done $0x0  }
0x11: {  	s13 =	ssub.s32 $0x2, s11;
	s10 =	sadd.s32 $0x482C00, s12;
	[sflag:s9] =	ssyncadd.s32 $0xFFFF8000  }
0x12: {  	[hbm4b:s10+s2] =	stream.linear.scatter [tilespmem:s7], [sflag:$0x3], $0x8000, $0x38;
	[tilespmem:$0x10200] =	vst v63  }
0x13: {  	s14 =	sshrl.u32 s13, $0x1;
	_ =	swait.ge [sflag:s3], $0x8000  }
0x14: {  	s13 =	ssub.s32 s13, s14;
	[sflag:s3] =	ssyncset.done $0x0  }
0x15: {  	s11 =	simm.s32 $0x2;
	s13 =	smax.u32 s13, $0x1;
	[sflag:s3] =	ssyncadd.s32 $0xFFFF8000  }
0x16: {  	p0 =	sne.s32 s13, $0x1;
	_ =	swait.ge [sflag:s11], $0x8000  }
.Ltmp0:
0x17: {  	[sflag:s11] =	ssyncset.done $0x0;
	(pc) =	sbr.rel @!p0 .LBB2_2-.Ltmp0, $4  }
0x18: {  	s12 =	sadd.s32 $0x483C00, s12;
	[sflag:s11] =	ssyncadd.s32 $0xFFFF8000  }
0x19: {  	[hbm4b:s12+s2] =	stream.linear.scatter [tilespmem:s8], [sflag:$0x3], $0x8000, $0x38;
	[tilespmem:$0x10200] =	vst v63  }
0x1a: {  	_ =	swait.ge [sflag:s3], $0x8000  }
0x1b: {  	s13 =	sadd.s32 $0xFFFFFFFF, s13;
	[sflag:s3] =	ssyncset.done $0x0  }
.LBB2_1:
0x1c: {  	p0 =	sne.s32 s13, $0x1;
	s13 =	sadd.s32 $0xFFFFFFFF, s13;
	[sflag:s3] =	ssyncadd.s32 $0xFFFF8000  }
0x1d: {  	[tilespmem:s2], [sflag:$0x3] =	stream.linear.gather [hbm4b:s4+s2], $0x200, $0x38;
	[tilespmem:$0x10200] =	vst v63  }
0x1e: {  	_ =	swait.ge [sflag:s3], $0x200  }
0x1f: {  	[sflag:s3] =	ssyncset.done $0x0  }
0x20: {  	[sflag:s3] =	ssyncadd.s32 $0xFFFFFE00  }
0x21: {  	[tilespmem:s7], [sflag:$0x1] =	stream.indirect.gather [hbm4b:s5+s6], $0x80, s2, s6, $0xb8;
	[tilespmem:$0x10200] =	vst v63  }
0x22: {  	_ = 	snop  }
0x23: {  	[tilespmem:s8], [sflag:$0x2] =	stream.indirect.gather [hbm4b:s5+s6], $0x80, s6, s6, $0xb8;
	[tilespmem:$0x10200] =	vst v63  }
0x24: {  	_ =	swait.ge [sflag:s9], $0x8000  }
0x25: {  	[sflag:s9] =	ssyncset.done $0x0  }
0x26: {  	[sflag:s9] =	ssyncadd.s32 $0xFFFF8000  }
0x27: {  	[hbm4b:s10+s2] =	stream.linear.scatter [tilespmem:s7], [sflag:$0x3], $0x8000, $0x38;
	[tilespmem:$0x10200] =	vst v63  }
0x28: {  	_ =	swait.ge [sflag:s3], $0x8000  }
0x29: {  	[sflag:s3] =	ssyncset.done $0x0  }
0x2a: {  	[sflag:s3] =	ssyncadd.s32 $0xFFFF8000  }
0x2b: {  	_ =	swait.ge [sflag:s11], $0x8000  }
.Ltmp1:
0x2c: {  	[sflag:s11] =	ssyncset.done $0x0;
	(pc) =	sbr.rel @p0 .LBB2_1-.Ltmp1, $4  }
0x2d: {  	[sflag:s11] =	ssyncadd.s32 $0xFFFF8000  }
0x2e: {  	[hbm4b:s12+s2] =	stream.linear.scatter [tilespmem:s8], [sflag:$0x3], $0x8000, $0x38;
	[tilespmem:$0x10200] =	vst v63  }
0x2f: {  	_ =	swait.ge [sflag:s3], $0x8000  }
0x30: {  	[sflag:s3] =	ssyncset.done $0x0  }
.LBB2_2:
0x31: {  	[sflag:s3] =	ssyncadd.s32 $0xFFFF8000  }
0x32: {  	_ =	sfence.sel $0x180000  }
0x33: {  	[bflag:$0x0] =	sbarrier.arrive $0xFFFF  }
0x34: {  	p0 =	sne.s32 s0, $0x0;
	_ =	strace $0x9000004A  }
0x35: {  	s0 =	sadd.s32 @!p0 $0x100000, s1;
	[bflag:$0x2] =	sbarrier.arrive $0xFFFF  }
0x36: {  	[sflag:s0] =	ssyncadd.tile.s32 @!p0 $0x1;
	_ =	shalt  }
.Lfunc_end2:
_tile_overlayer_lowered:
.L_overlay_start_2:
0x37: {  	(tag) =	ssettag $0x2  }
0x38: {  	s0 =	rddreg [dreg:$0x0];
	s2 =	stileid.u32  }
0x39: {  	s1 =	rddreg [dreg:$0x1];
	p0 =	sne.s32 s2, $0x0  }
0x3a: {  	s3 =	rddreg [dreg:$0x2];
	[bflag:$0x3] =	sbarrier.arrive $0xFFFF;
	s2 =	simm.s32 @!p0 $0x1C03  }
0x3b: {  	[timem:s3], [sflag:s2] =	dma.local @!p0 [hbm:s0], s1  }
0x3c: {  	s0 =	simm.s32 @!p0 $0x3  }
0x3d: {  	_ =	swait.ge @!p0 [sflag:s0], s1  }
0x3e: {  	s1 =	ssub.s32 @!p0 $0x0, s1;
	[sflag:s0] =	ssyncset.done @!p0 $0x0  }
0x3f: {  	[sflag:s0] =	ssyncadd.s32 @!p0 s1  }
0x40: {  	[bflag:$0x3] =	sbarrier.arrive $0xFFFF  }
0x41: {  	_ =	shalt  }

</sc_bundles>
